<compile_context>
chip_gen: v7x
topology: tpu7x:2x2x1
jax: 0.10.2.dev20260603
libtpu: 0.0.44.dev20260713+nightly
codegen_flags: <defaults>
</compile_context>

<pallas_src>
import jax
import jax.numpy as jnp
from jax import lax
from jax.experimental import pallas as pl
from jax.experimental.pallas import tpu as pltpu
from jax.experimental.pallas import tpu_sc as plsc

NUM_NODES = 10000
NUM_FACES = 320000
NUM_CH = 128

_NC = 2
_NS = 16
_NW = _NC * _NS
_CHUNK = 128
_NCHUNKS = NUM_FACES // _CHUNK
_ROWS_PER_TILE = 624
_TAIL_ROWS = NUM_NODES - _NS * _ROWS_PER_TILE
_MAX_ITERS = -(-_NCHUNKS // _NW)


def _sc_body(phi_hbm, fn_hbm, sums_hbm, cnts_hbm,
             fb0, fb1, ib0, ib1, cntloc, acc,
             lsem0, lsem1, ssem0, ssem1):
  c = lax.axis_index("core")
  s = lax.axis_index("subcore")
  wid = s * _NC + c

  fbufs = (fb0, fb1)
  ibufs = (ib0, ib1)
  lsems = (lsem0, lsem1)
  ssems = (ssem0, ssem1)

  z16 = jnp.zeros((16,), jnp.float32)
  ones16 = jnp.ones((16,), jnp.float32)

  base1 = (_NW + wid) * _CHUNK
  pltpu.async_copy(phi_hbm.at[pl.ds(base1, _CHUNK)], fb1, lsem1)
  pltpu.async_copy(fn_hbm.at[:, pl.ds(base1, _CHUNK)], ib1, lsem1)

  @pl.loop(0, _CHUNK)
  def _(i):
    @pl.loop(0, NUM_CH // 16)
    def _(j):
      fb0[i, pl.ds(j * 16, 16)] = z16

  @pl.loop(0, NUM_NODES // 16)
  def _(i):
    cntloc[pl.ds(i * 16, 16)] = z16

  row0 = s * _ROWS_PER_TILE
  tail0 = _NS * _ROWS_PER_TILE
  @pl.loop(0, _ROWS_PER_TILE // _CHUNK)
  def _(k):
    pltpu.sync_copy(fb0, acc.at[pl.ds(row0 + k * _CHUNK, _CHUNK)])
  rem = _ROWS_PER_TILE % _CHUNK
  if rem:
    base = row0 + (_ROWS_PER_TILE // _CHUNK) * _CHUNK
    pltpu.sync_copy(fb0.at[pl.ds(0, rem)], acc.at[pl.ds(base, rem)])

  @pl.when(s == _NS - 1)
  def _():
    pltpu.sync_copy(fb0.at[pl.ds(0, _TAIL_ROWS)],
                    acc.at[pl.ds(tail0, _TAIL_ROWS)])

  base0 = wid * _CHUNK
  pltpu.async_copy(phi_hbm.at[pl.ds(base0, _CHUNK)], fb0, lsem0)
  pltpu.async_copy(fn_hbm.at[:, pl.ds(base0, _CHUNK)], ib0, lsem0)

  plsc.subcore_barrier()

  def _iter(i, p):
    chunk = i * _NW + wid

    @pl.when(chunk < _NCHUNKS)
    def _():
      fb = fbufs[p]
      ib = ibufs[p]
      base = chunk * _CHUNK
      pltpu.make_async_copy(phi_hbm.at[pl.ds(base, _CHUNK)], fb,
                            lsems[p]).wait()
      pltpu.make_async_copy(fn_hbm.at[:, pl.ds(base, _CHUNK)], ib,
                            lsems[p]).wait()
      pltpu.async_copy(fb, acc.at[ib.at[0]], ssems[p], add=True)
      pltpu.async_copy(fb, acc.at[ib.at[1]], ssems[p], add=True)
      for e in (0, 1):
        for jj in range(_CHUNK // 16):
          idxv = ib[e, pl.ds(jj * 16, 16)]
          plsc.addupdate_scatter(cntloc, [idxv], ones16)
      pltpu.make_async_copy(fb, acc.at[ib.at[0]], ssems[p]).wait()
      pltpu.make_async_copy(fb, acc.at[ib.at[1]], ssems[p]).wait()

      nchunk = chunk + 2 * _NW

      @pl.when(nchunk < _NCHUNKS)
      def _():
        nbase = nchunk * _CHUNK
        pltpu.async_copy(phi_hbm.at[pl.ds(nbase, _CHUNK)], fb, lsems[p])
        pltpu.async_copy(fn_hbm.at[:, pl.ds(nbase, _CHUNK)], ib, lsems[p])

  @pl.loop(0, (_MAX_ITERS + 1) // 2)
  def _(j):
    _iter(2 * j, 0)
    _iter(2 * j + 1, 1)

  plsc.subcore_barrier()

  pltpu.sync_copy(acc.at[pl.ds(row0, _ROWS_PER_TILE)],
                  sums_hbm.at[c, pl.ds(row0, _ROWS_PER_TILE)])
  pltpu.sync_copy(cntloc, cnts_hbm.at[wid])

  @pl.when(s == _NS - 1)
  def _():
    pltpu.sync_copy(acc.at[pl.ds(tail0, _TAIL_ROWS)],
                    sums_hbm.at[c, pl.ds(tail0, _TAIL_ROWS)])


@jax.jit
def _sc_scatter(face_phi, face_node):
  mesh = plsc.VectorSubcoreMesh(core_axis_name="core",
                                subcore_axis_name="subcore")
  return pl.kernel(
      _sc_body,
      compiler_params=pltpu.CompilerParams(use_tc_tiling_on_sc=False,
                                           needs_layout_passes=False,
                                           disable_bounds_checks=True),
      out_type=[
          jax.ShapeDtypeStruct((_NC, NUM_NODES, NUM_CH), jnp.float32),
          jax.ShapeDtypeStruct((_NW, NUM_NODES), jnp.float32),
      ],
      mesh=mesh,
      scratch_types=[
          pltpu.VMEM((_CHUNK, NUM_CH), jnp.float32),
          pltpu.VMEM((_CHUNK, NUM_CH), jnp.float32),
          pltpu.VMEM((2, _CHUNK), jnp.int32),
          pltpu.VMEM((2, _CHUNK), jnp.int32),
          pltpu.VMEM((NUM_NODES,), jnp.float32),
          pltpu.VMEM_SHARED((NUM_NODES, NUM_CH), jnp.float32),
          pltpu.SemaphoreType.DMA,
          pltpu.SemaphoreType.DMA,
          pltpu.SemaphoreType.DMA,
          pltpu.SemaphoreType.DMA,
      ],
  )(face_phi, face_node)


def _combine_body(s_ref, c_ref, o_ref):
  sums = s_ref[0] + s_ref[1]
  counts = jnp.sum(c_ref[...], axis=0)[:, None]
  o_ref[...] = sums / jnp.maximum(counts, 1.0)


@jax.jit
def _combine(sums, cnts):
  return pl.pallas_call(
      _combine_body,
      out_shape=jax.ShapeDtypeStruct((NUM_NODES, NUM_CH), jnp.float32),
  )(sums, cnts)


def kernel(face_phi, face_node):
  sums, cnts = _sc_scatter(face_phi, face_node)
  return _combine(sums, cnts)

# --- scband reference (transcript-rebuilt; emitter-appended) ---
"""Pipeline reference for scband-interplot-36086315221083 (READ-ONLY COPY).

The authoritative reference and input builder live on the scoring server;
editing this copy changes nothing except your own understanding.
"""

import jax, jax.numpy as jnp
import numpy as np

NUM_NODES = 10000
NUM_FACES = 320000
NUM_CH = 128


def setup_inputs(seed: int = 0) -> dict:
    key = jax.random.key(seed)
    k1, k2 = jax.random.split(key)
    face_phi = jax.random.normal(k1, (NUM_FACES, NUM_CH), dtype=jnp.float32)
    face_node = jax.random.randint(k2, (2, NUM_FACES), 0, NUM_NODES, dtype=jnp.int32)
    return {"face_phi": face_phi, "face_node": face_node}


def reference(face_phi, face_node):
    # Faithful translation of Interplot.face_to_node:
    # bidirectional scatter-mean of face values onto their two endpoint nodes.
    bidirectional_face_phi = jnp.concatenate([face_phi, face_phi], axis=0)
    bidirectional_node_indices = jnp.concatenate([face_node[1], face_node[0]], axis=0)
    sums = jax.ops.segment_sum(bidirectional_face_phi, bidirectional_node_indices, num_segments=NUM_NODES)
    counts = jax.ops.segment_sum(
        jnp.ones((bidirectional_node_indices.shape[0],), dtype=face_phi.dtype),
        bidirectional_node_indices,
        num_segments=NUM_NODES,
    )
    # scatter_mean semantics: divide by count clamped to >= 1
    node_phi = sums / jnp.clip(counts, 1.0, None)[:, None]
    return node_phi

if __name__ == "__main__":
    import jax
    _d = setup_inputs()
    print(jax.jit(kernel)(*tuple(_d.values())))

</pallas_src>

<mosaic_0001>
#map = affine_map<(d0, d1) -> (0, 0)>
#map1 = affine_map<(d0, d1) -> (0, 0, 0)>
module attributes {stable_mosaic.version = 14 : i64} {
  func.func @_sc_body(%arg0: i32, %arg1: i32, %arg2: memref<320000x128xf32, #tpu.memory_space<hbm>>, %arg3: memref<2x320000xi32, #tpu.memory_space<hbm>>, %arg4: memref<2x10000x128xf32, #tpu.memory_space<hbm>>, %arg5: memref<32x10000xf32, #tpu.memory_space<hbm>>, %arg6: memref<128x128xf32, #tpu.memory_space<vmem>>, %arg7: memref<128x128xf32, #tpu.memory_space<vmem>>, %arg8: memref<2x128xi32, #tpu.memory_space<vmem>>, %arg9: memref<2x128xi32, #tpu.memory_space<vmem>>, %arg10: memref<10000xf32, #tpu.memory_space<vmem>>, %arg11: memref<10000x128xf32, #tpu.memory_space<vmem_shared>>, %arg12: memref<!tpu.dma_semaphore, #tpu.memory_space<semaphore_mem>>, %arg13: memref<!tpu.dma_semaphore, #tpu.memory_space<semaphore_mem>>, %arg14: memref<!tpu.dma_semaphore, #tpu.memory_space<semaphore_mem>>, %arg15: memref<!tpu.dma_semaphore, #tpu.memory_space<semaphore_mem>>) attributes {dimension_semantics = [#tpu.dimension_semantics<core_parallel>, #tpu.dimension_semantics<subcore_parallel>], iteration_bounds = array<i64: 2, 16>, scalar_prefetch = 0 : i64, scratch_operands = 10 : i64, tpu.core_type = #tpu.core_type<sc_vector_subcore>, window_params = [{transform_indices = #map}, {transform_indices = #map}, {transform_indices = #map1}, {transform_indices = #map}]} {
    %mul3A = arith.constant 2 : i32
    %mul3A_0 = arith.muli %arg1, %mul3A : i32
    %add3A = arith.addi %mul3A_0, %arg0 : i32
    %broadcast_in_dim3A = arith.constant 0.000000e+00 : f32
    %broadcast_in_dim3A_1 = vector.broadcast %broadcast_in_dim3A : f32 to vector<16xf32>
    %broadcast_in_dim3A_2 = arith.constant 1.000000e+00 : f32
    %broadcast_in_dim3A_3 = vector.broadcast %broadcast_in_dim3A_2 : f32 to vector<16xf32>
    %add3A_4 = arith.constant 32 : i32
    %add3A_5 = arith.addi %add3A_4, %add3A : i32
    %mul3A_6 = arith.constant 128 : i32
    %mul3A_7 = arith.muli %add3A_5, %mul3A_6 : i32
    %dma_start3A = arith.constant 0 : i32
    %dma_start3A_8 = tpu.memref_slice %arg2[%mul3A_7, %dma_start3A] : memref<320000x128xf32, #tpu.memory_space<hbm>> -> memref<128x128xf32, #tpu.memory_space<hbm>>
    %dma_start3A_9 = arith.constant 0 : i32
    %dma_start3A_10 = tpu.memref_slice %arg2[%mul3A_7, %dma_start3A_9] : memref<320000x128xf32, #tpu.memory_space<hbm>> -> memref<128x128xf32, #tpu.memory_space<hbm>>
    tpu.enqueue_dma source(%dma_start3A_10 : memref<128x128xf32, #tpu.memory_space<hbm>>) target(%arg7 : memref<128x128xf32, #tpu.memory_space<vmem>>) target_semaphore(%arg13 : memref<!tpu.dma_semaphore, #tpu.memory_space<semaphore_mem>>)
    %dma_start3A_11 = arith.constant 0 : i32
    %dma_start3A_12 = tpu.memref_slice %arg3[%dma_start3A_11, %mul3A_7] : memref<2x320000xi32, #tpu.memory_space<hbm>> -> memref<2x128xi32, #tpu.memory_space<hbm>>
    %dma_start3A_13 = arith.constant 0 : i32
    %dma_start3A_14 = tpu.memref_slice %arg3[%dma_start3A_13, %mul3A_7] : memref<2x320000xi32, #tpu.memory_space<hbm>> -> memref<2x128xi32, #tpu.memory_space<hbm>>
    tpu.enqueue_dma source(%dma_start3A_14 : memref<2x128xi32, #tpu.memory_space<hbm>>) target(%arg9 : memref<2x128xi32, #tpu.memory_space<vmem>>) target_semaphore(%arg13 : memref<!tpu.dma_semaphore, #tpu.memory_space<semaphore_mem>>)
    %scan3A = arith.constant 0 : i32
    %scan3A_15 = arith.constant 128 : i32
    %scan3A_16 = arith.addi %scan3A, %scan3A_15 : i32
    %scan3A_17 = arith.constant 1 : i32
    scf.for %scan3A_56 = %scan3A to %scan3A_16 step %scan3A_17  : i32 {
      %mul3A_57 = arith.constant 1 : i32
      %mul3A_58 = arith.muli %scan3A_56, %mul3A_57 : i32
      %add3A_59 = arith.constant 0 : i32
      %add3A_60 = arith.addi %add3A_59, %mul3A_58 : i32
      %scan3A_61 = arith.constant 0 : i32
      %scan3A_62 = arith.constant 8 : i32
      %scan3A_63 = arith.addi %scan3A_61, %scan3A_62 : i32
      %scan3A_64 = arith.constant 1 : i32
      scf.for %scan3A_66 = %scan3A_61 to %scan3A_63 step %scan3A_64  : i32 {
        %mul3A_67 = arith.constant 1 : i32
        %mul3A_68 = arith.muli %scan3A_66, %mul3A_67 : i32
        %add3A_69 = arith.constant 0 : i32
        %add3A_70 = arith.addi %add3A_69, %mul3A_68 : i32
        %mul3A_71 = arith.constant 16 : i32
        %mul3A_72 = arith.muli %add3A_70, %mul3A_71 : i32
        %swap3A = arith.index_cast %add3A_60 : i32 to index
        %swap3A_73 = arith.index_cast %mul3A_72 : i32 to index
        %swap3A_74 = tpu.vector_load %arg6[%swap3A, %swap3A_73] {strides = array<i32>} : memref<128x128xf32, #tpu.memory_space<vmem>>, vector<16xf32>,
        tpu.vector_store %arg6[%swap3A, %swap3A_73], %broadcast_in_dim3A_1 {strides = array<i32>} : memref<128x128xf32, #tpu.memory_space<vmem>>, vector<16xf32>,
      }
      %scan3A_65 = arith.constant 8 : i32
    }
    %scan3A_18 = arith.constant 128 : i32
    %scan3A_19 = arith.constant 0 : i32
    %scan3A_20 = arith.constant 625 : i32
    %scan3A_21 = arith.addi %scan3A_19, %scan3A_20 : i32
    %scan3A_22 = arith.constant 1 : i32
    scf.for %scan3A_56 = %scan3A_19 to %scan3A_21 step %scan3A_22  : i32 {
      %mul3A_57 = arith.constant 1 : i32
      %mul3A_58 = arith.muli %scan3A_56, %mul3A_57 : i32
      %add3A_59 = arith.constant 0 : i32
      %add3A_60 = arith.addi %add3A_59, %mul3A_58 : i32
      %mul3A_61 = arith.constant 16 : i32
      %mul3A_62 = arith.muli %add3A_60, %mul3A_61 : i32
      %swap3A = arith.index_cast %mul3A_62 : i32 to index
      %swap3A_63 = tpu.vector_load %arg10[%swap3A] {strides = array<i32>} : memref<10000xf32, #tpu.memory_space<vmem>>, vector<16xf32>,
      tpu.vector_store %arg10[%swap3A], %broadcast_in_dim3A_1 {strides = array<i32>} : memref<10000xf32, #tpu.memory_space<vmem>>, vector<16xf32>,
    }
    %scan3A_23 = arith.constant 625 : i32
    %mul3A_24 = arith.constant 624 : i32
    %mul3A_25 = arith.muli %arg1, %mul3A_24 : i32
    %scan3A_26 = arith.constant 0 : i32
    %scan3A_27 = arith.constant 4 : i32
    %scan3A_28 = arith.addi %scan3A_26, %scan3A_27 : i32
    %scan3A_29 = arith.constant 1 : i32
    scf.for %scan3A_56 = %scan3A_26 to %scan3A_28 step %scan3A_29  : i32 {
      %mul3A_57 = arith.constant 1 : i32
      %mul3A_58 = arith.muli %scan3A_56, %mul3A_57 : i32
      %add3A_59 = arith.constant 0 : i32
      %add3A_60 = arith.addi %add3A_59, %mul3A_58 : i32
      %mul3A_61 = arith.constant 128 : i32
      %mul3A_62 = arith.muli %add3A_60, %mul3A_61 : i32
      %add3A_63 = arith.addi %mul3A_25, %mul3A_62 : i32
      "tpu.region"() ({
        %run_scoped3A = tpu.sem_alloc : memref<!tpu.dma_semaphore, #tpu.memory_space<semaphore_mem>>
        %dma_start3A_64 = arith.constant 0 : i32
        %dma_start3A_65 = tpu.memref_slice %arg11[%add3A_63, %dma_start3A_64] : memref<10000x128xf32, #tpu.memory_space<vmem_shared>> -> memref<128x128xf32, #tpu.memory_space<vmem_shared>>
        %dma_start3A_66 = arith.constant 0 : i32
        %dma_start3A_67 = tpu.memref_slice %arg11[%add3A_63, %dma_start3A_66] : memref<10000x128xf32, #tpu.memory_space<vmem_shared>> -> memref<128x128xf32, #tpu.memory_space<vmem_shared>>
        tpu.enqueue_dma source(%arg6 : memref<128x128xf32, #tpu.memory_space<vmem>>) target(%dma_start3A_67 : memref<128x128xf32, #tpu.memory_space<vmem_shared>>) target_semaphore(%run_scoped3A : memref<!tpu.dma_semaphore, #tpu.memory_space<semaphore_mem>>)
        %dma_wait3A = arith.constant 0 : i32
        %dma_wait3A_68 = tpu.memref_slice %arg11[%add3A_63, %dma_wait3A] : memref<10000x128xf32, #tpu.memory_space<vmem_shared>> -> memref<128x128xf32, #tpu.memory_space<vmem_shared>>
        %dma_wait3A_69 = arith.constant 0 : i32
        %dma_wait3A_70 = tpu.memref_slice %arg11[%add3A_63, %dma_wait3A_69] : memref<10000x128xf32, #tpu.memory_space<vmem_shared>> -> memref<128x128xf32, #tpu.memory_space<vmem_shared>>
        tpu.wait_dma2 semaphore(%run_scoped3A : memref<!tpu.dma_semaphore, #tpu.memory_space<semaphore_mem>>) src(%arg6 : memref<128x128xf32, #tpu.memory_space<vmem>>) dst(%dma_wait3A_70 : memref<128x128xf32, #tpu.memory_space<vmem_shared>>)
        tpu.yield
      }) : () -> ()
    }
    %scan3A_30 = arith.constant 4 : i32
    %add3A_31 = arith.constant 512 : i32
    %add3A_32 = arith.addi %mul3A_25, %add3A_31 : i32
    "tpu.region"() ({
      %run_scoped3A = tpu.sem_alloc : memref<!tpu.dma_semaphore, #tpu.memory_space<semaphore_mem>>
      %dma_start3A_56 = arith.constant 0 : i32
      %dma_start3A_57 = arith.constant 0 : i32
      %dma_start3A_58 = tpu.memref_slice %arg6[%dma_start3A_56, %dma_start3A_57] : memref<128x128xf32, #tpu.memory_space<vmem>> -> memref<112x128xf32, #tpu.memory_space<vmem>>
      %dma_start3A_59 = arith.constant 0 : i32
      %dma_start3A_60 = tpu.memref_slice %arg11[%add3A_32, %dma_start3A_59] : memref<10000x128xf32, #tpu.memory_space<vmem_shared>> -> memref<112x128xf32, #tpu.memory_space<vmem_shared>>
      %dma_start3A_61 = arith.constant 0 : i32
      %dma_start3A_62 = tpu.memref_slice %arg11[%add3A_32, %dma_start3A_61] : memref<10000x128xf32, #tpu.memory_space<vmem_shared>> -> memref<112x128xf32, #tpu.memory_space<vmem_shared>>
      %dma_start3A_63 = arith.constant 0 : i32
      %dma_start3A_64 = arith.constant 0 : i32
      %dma_start3A_65 = tpu.memref_slice %arg6[%dma_start3A_63, %dma_start3A_64] : memref<128x128xf32, #tpu.memory_space<vmem>> -> memref<112x128xf32, #tpu.memory_space<vmem>>
      tpu.enqueue_dma source(%dma_start3A_65 : memref<112x128xf32, #tpu.memory_space<vmem>>) target(%dma_start3A_62 : memref<112x128xf32, #tpu.memory_space<vmem_shared>>) target_semaphore(%run_scoped3A : memref<!tpu.dma_semaphore, #tpu.memory_space<semaphore_mem>>)
      %dma_wait3A = arith.constant 0 : i32
      %dma_wait3A_66 = arith.constant 0 : i32
      %dma_wait3A_67 = tpu.memref_slice %arg6[%dma_wait3A, %dma_wait3A_66] : memref<128x128xf32, #tpu.memory_space<vmem>> -> memref<112x128xf32, #tpu.memory_space<vmem>>
      %dma_wait3A_68 = arith.constant 0 : i32
      %dma_wait3A_69 = tpu.memref_slice %arg11[%add3A_32, %dma_wait3A_68] : memref<10000x128xf32, #tpu.memory_space<vmem_shared>> -> memref<112x128xf32, #tpu.memory_space<vmem_shared>>
      %dma_wait3A_70 = arith.constant 0 : i32
      %dma_wait3A_71 = tpu.memref_slice %arg11[%add3A_32, %dma_wait3A_70] : memref<10000x128xf32, #tpu.memory_space<vmem_shared>> -> memref<112x128xf32, #tpu.memory_space<vmem_shared>>
      %dma_wait3A_72 = arith.constant 0 : i32
      %dma_wait3A_73 = arith.constant 0 : i32
      %dma_wait3A_74 = tpu.memref_slice %arg6[%dma_wait3A_72, %dma_wait3A_73] : memref<128x128xf32, #tpu.memory_space<vmem>> -> memref<112x128xf32, #tpu.memory_space<vmem>>
      tpu.wait_dma2 semaphore(%run_scoped3A : memref<!tpu.dma_semaphore, #tpu.memory_space<semaphore_mem>>) src(%dma_wait3A_74 : memref<112x128xf32, #tpu.memory_space<vmem>>) dst(%dma_wait3A_71 : memref<112x128xf32, #tpu.memory_space<vmem_shared>>)
      tpu.yield
    }) : () -> ()
    %eq3A = arith.constant 15 : i32
    %eq3A_33 = arith.cmpi eq, %arg1, %eq3A : i32
    %convert_element_type3A = arith.extui %eq3A_33 : i1 to i32
    %cond3A = arith.constant 0 : i32
    %cond3A_34 = arith.cmpi ne, %convert_element_type3A, %cond3A : i32
    scf.if %cond3A_34 {
      "tpu.region"() ({
        %run_scoped3A = tpu.sem_alloc : memref<!tpu.dma_semaphore, #tpu.memory_space<semaphore_mem>>
        %dma_start3A_56 = arith.constant 0 : i32
        %dma_start3A_57 = arith.constant 0 : i32
        %dma_start3A_58 = tpu.memref_slice %arg6[%dma_start3A_56, %dma_start3A_57] : memref<128x128xf32, #tpu.memory_space<vmem>> -> memref<16x128xf32, #tpu.memory_space<vmem>>
        %dma_start3A_59 = arith.constant 9984 : i32
        %dma_start3A_60 = arith.constant 0 : i32
        %dma_start3A_61 = tpu.memref_slice %arg11[%dma_start3A_59, %dma_start3A_60] : memref<10000x128xf32, #tpu.memory_space<vmem_shared>> -> memref<16x128xf32, #tpu.memory_space<vmem_shared>>
        %dma_start3A_62 = arith.constant 9984 : i32
        %dma_start3A_63 = arith.constant 0 : i32
        %dma_start3A_64 = tpu.memref_slice %arg11[%dma_start3A_62, %dma_start3A_63] : memref<10000x128xf32, #tpu.memory_space<vmem_shared>> -> memref<16x128xf32, #tpu.memory_space<vmem_shared>>
        %dma_start3A_65 = arith.constant 0 : i32
        %dma_start3A_66 = arith.constant 0 : i32
        %dma_start3A_67 = tpu.memref_slice %arg6[%dma_start3A_65, %dma_start3A_66] : memref<128x128xf32, #tpu.memory_space<vmem>> -> memref<16x128xf32, #tpu.memory_space<vmem>>
        tpu.enqueue_dma source(%dma_start3A_67 : memref<16x128xf32, #tpu.memory_space<vmem>>) target(%dma_start3A_64 : memref<16x128xf32, #tpu.memory_space<vmem_shared>>) target_semaphore(%run_scoped3A : memref<!tpu.dma_semaphore, #tpu.memory_space<semaphore_mem>>)
        %dma_wait3A = arith.constant 0 : i32
        %dma_wait3A_68 = arith.constant 0 : i32
        %dma_wait3A_69 = tpu.memref_slice %arg6[%dma_wait3A, %dma_wait3A_68] : memref<128x128xf32, #tpu.memory_space<vmem>> -> memref<16x128xf32, #tpu.memory_space<vmem>>
        %dma_wait3A_70 = arith.constant 9984 : i32
        %dma_wait3A_71 = arith.constant 0 : i32
        %dma_wait3A_72 = tpu.memref_slice %arg11[%dma_wait3A_70, %dma_wait3A_71] : memref<10000x128xf32, #tpu.memory_space<vmem_shared>> -> memref<16x128xf32, #tpu.memory_space<vmem_shared>>
        %dma_wait3A_73 = arith.constant 9984 : i32
        %dma_wait3A_74 = arith.constant 0 : i32
        %dma_wait3A_75 = tpu.memref_slice %arg11[%dma_wait3A_73, %dma_wait3A_74] : memref<10000x128xf32, #tpu.memory_space<vmem_shared>> -> memref<16x128xf32, #tpu.memory_space<vmem_shared>>
        %dma_wait3A_76 = arith.constant 0 : i32
        %dma_wait3A_77 = arith.constant 0 : i32
        %dma_wait3A_78 = tpu.memref_slice %arg6[%dma_wait3A_76, %dma_wait3A_77] : memref<128x128xf32, #tpu.memory_space<vmem>> -> memref<16x128xf32, #tpu.memory_space<vmem>>
        tpu.wait_dma2 semaphore(%run_scoped3A : memref<!tpu.dma_semaphore, #tpu.memory_space<semaphore_mem>>) src(%dma_wait3A_78 : memref<16x128xf32, #tpu.memory_space<vmem>>) dst(%dma_wait3A_75 : memref<16x128xf32, #tpu.memory_space<vmem_shared>>)
        tpu.yield
      }) : () -> ()
    } else {
    }
    %mul3A_35 = arith.constant 128 : i32
    %mul3A_36 = arith.muli %add3A, %mul3A_35 : i32
    %dma_start3A_37 = arith.constant 0 : i32
    %dma_start3A_38 = tpu.memref_slice %arg2[%mul3A_36, %dma_start3A_37] : memref<320000x128xf32, #tpu.memory_space<hbm>> -> memref<128x128xf32, #tpu.memory_space<hbm>>
    %dma_start3A_39 = arith.constant 0 : i32
    %dma_start3A_40 = tpu.memref_slice %arg2[%mul3A_36, %dma_start3A_39] : memref<320000x128xf32, #tpu.memory_space<hbm>> -> memref<128x128xf32, #tpu.memory_space<hbm>>
    tpu.enqueue_dma source(%dma_start3A_40 : memref<128x128xf32, #tpu.memory_space<hbm>>) target(%arg6 : memref<128x128xf32, #tpu.memory_space<vmem>>) target_semaphore(%arg12 : memref<!tpu.dma_semaphore, #tpu.memory_space<semaphore_mem>>)
    %dma_start3A_41 = arith.constant 0 : i32
    %dma_start3A_42 = tpu.memref_slice %arg3[%dma_start3A_41, %mul3A_36] : memref<2x320000xi32, #tpu.memory_space<hbm>> -> memref<2x128xi32, #tpu.memory_space<hbm>>
    %dma_start3A_43 = arith.constant 0 : i32
    %dma_start3A_44 = tpu.memref_slice %arg3[%dma_start3A_43, %mul3A_36] : memref<2x320000xi32, #tpu.memory_space<hbm>> -> memref<2x128xi32, #tpu.memory_space<hbm>>
    tpu.enqueue_dma source(%dma_start3A_44 : memref<2x128xi32, #tpu.memory_space<hbm>>) target(%arg8 : memref<2x128xi32, #tpu.memory_space<vmem>>) target_semaphore(%arg12 : memref<!tpu.dma_semaphore, #tpu.memory_space<semaphore_mem>>)
    %barrier3A = arith.constant 0 : index
    tpu.barrier barrier_id(%barrier3A)
    %scan3A_45 = arith.constant 0 : i32
    %scan3A_46 = arith.constant 40 : i32
    %scan3A_47 = arith.addi %scan3A_45, %scan3A_46 : i32
    %scan3A_48 = arith.constant 1 : i32
    scf.for %scan3A_56 = %scan3A_45 to %scan3A_47 step %scan3A_48  : i32 {
      %mul3A_57 = arith.constant 1 : i32
      %mul3A_58 = arith.muli %scan3A_56, %mul3A_57 : i32
      %add3A_59 = arith.constant 0 : i32
      %add3A_60 = arith.addi %add3A_59, %mul3A_58 : i32
      %mul3A_61 = arith.constant 2 : i32
      %mul3A_62 = arith.muli %mul3A_61, %add3A_60 : i32
      %mul3A_63 = arith.constant 32 : i32
      %mul3A_64 = arith.muli %mul3A_62, %mul3A_63 : i32
      %add3A_65 = arith.addi %mul3A_64, %add3A : i32
      %lt3A = arith.constant 2500 : i32
      %lt3A_66 = arith.cmpi slt, %add3A_65, %lt3A : i32
      %convert_element_type3A_67 = arith.extui %lt3A_66 : i1 to i32
      %cond3A_68 = arith.constant 0 : i32
      %cond3A_69 = arith.cmpi ne, %convert_element_type3A_67, %cond3A_68 : i32
      scf.if %cond3A_69 {
        %mul3A_82 = arith.constant 128 : i32
        %mul3A_83 = arith.muli %add3A_65, %mul3A_82 : i32
        %dma_wait3A = arith.constant 0 : i32
        %dma_wait3A_84 = tpu.memref_slice %arg2[%mul3A_83, %dma_wait3A] : memref<320000x128xf32, #tpu.memory_space<hbm>> -> memref<128x128xf32, #tpu.memory_space<hbm>>
        %dma_wait3A_85 = arith.constant 0 : i32
        %dma_wait3A_86 = tpu.memref_slice %arg2[%mul3A_83, %dma_wait3A_85] : memref<320000x128xf32, #tpu.memory_space<hbm>> -> memref<128x128xf32, #tpu.memory_space<hbm>>
        tpu.wait_dma2 semaphore(%arg12 : memref<!tpu.dma_semaphore, #tpu.memory_space<semaphore_mem>>) src(%dma_wait3A_86 : memref<128x128xf32, #tpu.memory_space<hbm>>) dst(%arg6 : memref<128x128xf32, #tpu.memory_space<vmem>>)
        %dma_wait3A_87 = arith.constant 0 : i32
        %dma_wait3A_88 = tpu.memref_slice %arg3[%dma_wait3A_87, %mul3A_83] : memref<2x320000xi32, #tpu.memory_space<hbm>> -> memref<2x128xi32, #tpu.memory_space<hbm>>
        %dma_wait3A_89 = arith.constant 0 : i32
        %dma_wait3A_90 = tpu.memref_slice %arg3[%dma_wait3A_89, %mul3A_83] : memref<2x320000xi32, #tpu.memory_space<hbm>> -> memref<2x128xi32, #tpu.memory_space<hbm>>
        tpu.wait_dma2 semaphore(%arg12 : memref<!tpu.dma_semaphore, #tpu.memory_space<semaphore_mem>>) src(%dma_wait3A_90 : memref<2x128xi32, #tpu.memory_space<hbm>>) dst(%arg8 : memref<2x128xi32, #tpu.memory_space<vmem>>)
        %dma_start3A_91 = arith.constant 0 : i32
        %dma_start3A_92 = arith.constant 0 : i32
        %dma_start3A_93 = tpu.memref_slice %arg8[%dma_start3A_91, %dma_start3A_92] : memref<2x128xi32, #tpu.memory_space<vmem>> -> memref<1x128xi32, #tpu.memory_space<vmem>>
        %dma_start3A_94 = tpu.memref_squeeze %dma_start3A_93 : memref<1x128xi32, #tpu.memory_space<vmem>> -> memref<128xi32, #tpu.memory_space<vmem>>
        %dma_start3A_95 = arith.constant 0 : i32
        %dma_start3A_96 = arith.constant 0 : i32
        %dma_start3A_97 = tpu.memref_slice %arg11[%dma_start3A_95, %dma_start3A_96] : memref<10000x128xf32, #tpu.memory_space<vmem_shared>> -> memref<10000x128xf32, #tpu.memory_space<vmem_shared>>
        tpu.enqueue_indirect_dma source(%arg6 : memref<128x128xf32, #tpu.memory_space<vmem>>) target(%dma_start3A_97 : memref<10000x128xf32, #tpu.memory_space<vmem_shared>>) offsets(%dma_start3A_94 : memref<128xi32, #tpu.memory_space<vmem>>) semaphore(%arg14 : memref<!tpu.dma_semaphore, #tpu.memory_space<semaphore_mem>>) {add = true}
        %dma_start3A_98 = arith.constant 1 : i32
        %dma_start3A_99 = arith.constant 0 : i32
        %dma_start3A_100 = tpu.memref_slice %arg8[%dma_start3A_98, %dma_start3A_99] : memref<2x128xi32, #tpu.memory_space<vmem>> -> memref<1x128xi32, #tpu.memory_space<vmem>>
        %dma_start3A_101 = tpu.memref_squeeze %dma_start3A_100 : memref<1x128xi32, #tpu.memory_space<vmem>> -> memref<128xi32, #tpu.memory_space<vmem>>
        %dma_start3A_102 = arith.constant 0 : i32
        %dma_start3A_103 = arith.constant 0 : i32
        %dma_start3A_104 = tpu.memref_slice %arg11[%dma_start3A_102, %dma_start3A_103] : memref<10000x128xf32, #tpu.memory_space<vmem_shared>> -> memref<10000x128xf32, #tpu.memory_space<vmem_shared>>
        tpu.enqueue_indirect_dma source(%arg6 : memref<128x128xf32, #tpu.memory_space<vmem>>) target(%dma_start3A_104 : memref<10000x128xf32, #tpu.memory_space<vmem_shared>>) offsets(%dma_start3A_101 : memref<128xi32, #tpu.memory_space<vmem>>) semaphore(%arg14 : memref<!tpu.dma_semaphore, #tpu.memory_space<semaphore_mem>>) {add = true}
        %get3A = arith.constant 0 : i32
        %get3A_105 = arith.index_cast %get3A : i32 to index
        %get3A_106 = arith.constant 0 : index
        %get3A_107 = tpu.vector_load %arg8[%get3A_105, %get3A_106] {strides = array<i32>} : memref<2x128xi32, #tpu.memory_space<vmem>>, vector<16xi32>,
        tpu.vector_store_idx %arg10[%get3A_107], %broadcast_in_dim3A_3 {add = true} : memref<10000xf32, #tpu.memory_space<vmem>>[vector<16xi32>], vector<16xf32>,
        %get3A_108 = arith.constant 0 : i32
        %get3A_109 = arith.index_cast %get3A_108 : i32 to index
        %get3A_110 = arith.constant 16 : index
        %get3A_111 = tpu.vector_load %arg8[%get3A_109, %get3A_110] {strides = array<i32>} : memref<2x128xi32, #tpu.memory_space<vmem>>, vector<16xi32>,
        tpu.vector_store_idx %arg10[%get3A_111], %broadcast_in_dim3A_3 {add = true} : memref<10000xf32, #tpu.memory_space<vmem>>[vector<16xi32>], vector<16xf32>,
        %get3A_112 = arith.constant 0 : i32
        %get3A_113 = arith.index_cast %get3A_112 : i32 to index
        %get3A_114 = arith.constant 32 : index
        %get3A_115 = tpu.vector_load %arg8[%get3A_113, %get3A_114] {strides = array<i32>} : memref<2x128xi32, #tpu.memory_space<vmem>>, vector<16xi32>,
        tpu.vector_store_idx %arg10[%get3A_115], %broadcast_in_dim3A_3 {add = true} : memref<10000xf32, #tpu.memory_space<vmem>>[vector<16xi32>], vector<16xf32>,
        %get3A_116 = arith.constant 0 : i32
        %get3A_117 = arith.index_cast %get3A_116 : i32 to index
        %get3A_118 = arith.constant 48 : index
        %get3A_119 = tpu.vector_load %arg8[%get3A_117, %get3A_118] {strides = array<i32>} : memref<2x128xi32, #tpu.memory_space<vmem>>, vector<16xi32>,
        tpu.vector_store_idx %arg10[%get3A_119], %broadcast_in_dim3A_3 {add = true} : memref<10000xf32, #tpu.memory_space<vmem>>[vector<16xi32>], vector<16xf32>,
        %get3A_120 = arith.constant 0 : i32
        %get3A_121 = arith.index_cast %get3A_120 : i32 to index
        %get3A_122 = arith.constant 64 : index
        %get3A_123 = tpu.vector_load %arg8[%get3A_121, %get3A_122] {strides = array<i32>} : memref<2x128xi32, #tpu.memory_space<vmem>>, vector<16xi32>,
        tpu.vector_store_idx %arg10[%get3A_123], %broadcast_in_dim3A_3 {add = true} : memref<10000xf32, #tpu.memory_space<vmem>>[vector<16xi32>], vector<16xf32>,
        %get3A_124 = arith.constant 0 : i32
        %get3A_125 = arith.index_cast %get3A_124 : i32 to index
        %get3A_126 = arith.constant 80 : index
        %get3A_127 = tpu.vector_load %arg8[%get3A_125, %get3A_126] {strides = array<i32>} : memref<2x128xi32, #tpu.memory_space<vmem>>, vector<16xi32>,
        tpu.vector_store_idx %arg10[%get3A_127], %broadcast_in_dim3A_3 {add = true} : memref<10000xf32, #tpu.memory_space<vmem>>[vector<16xi32>], vector<16xf32>,
        %get3A_128 = arith.constant 0 : i32
        %get3A_129 = arith.index_cast %get3A_128 : i32 to index
        %get3A_130 = arith.constant 96 : index
        %get3A_131 = tpu.vector_load %arg8[%get3A_129, %get3A_130] {strides = array<i32>} : memref<2x128xi32, #tpu.memory_space<vmem>>, vector<16xi32>,
        tpu.vector_store_idx %arg10[%get3A_131], %broadcast_in_dim3A_3 {add = true} : memref<10000xf32, #tpu.memory_space<vmem>>[vector<16xi32>], vector<16xf32>,
        %get3A_132 = arith.constant 0 : i32
        %get3A_133 = arith.index_cast %get3A_132 : i32 to index
        %get3A_134 = arith.constant 112 : index
        %get3A_135 = tpu.vector_load %arg8[%get3A_133, %get3A_134] {strides = array<i32>} : memref<2x128xi32, #tpu.memory_space<vmem>>, vector<16xi32>,
        tpu.vector_store_idx %arg10[%get3A_135], %broadcast_in_dim3A_3 {add = true} : memref<10000xf32, #tpu.memory_space<vmem>>[vector<16xi32>], vector<16xf32>,
        %get3A_136 = arith.constant 1 : i32
        %get3A_137 = arith.index_cast %get3A_136 : i32 to index
        %get3A_138 = arith.constant 0 : index
        %get3A_139 = tpu.vector_load %arg8[%get3A_137, %get3A_138] {strides = array<i32>} : memref<2x128xi32, #tpu.memory_space<vmem>>, vector<16xi32>,
        tpu.vector_store_idx %arg10[%get3A_139], %broadcast_in_dim3A_3 {add = true} : memref<10000xf32, #tpu.memory_space<vmem>>[vector<16xi32>], vector<16xf32>,
        %get3A_140 = arith.constant 1 : i32
        %get3A_141 = arith.index_cast %get3A_140 : i32 to index
        %get3A_142 = arith.constant 16 : index
        %get3A_143 = tpu.vector_load %arg8[%get3A_141, %get3A_142] {strides = array<i32>} : memref<2x128xi32, #tpu.memory_space<vmem>>, vector<16xi32>,
        tpu.vector_store_idx %arg10[%get3A_143], %broadcast_in_dim3A_3 {add = true} : memref<10000xf32, #tpu.memory_space<vmem>>[vector<16xi32>], vector<16xf32>,
        %get3A_144 = arith.constant 1 : i32
        %get3A_145 = arith.index_cast %get3A_144 : i32 to index
        %get3A_146 = arith.constant 32 : index
        %get3A_147 = tpu.vector_load %arg8[%get3A_145, %get3A_146] {strides = array<i32>} : memref<2x128xi32, #tpu.memory_space<vmem>>, vector<16xi32>,
        tpu.vector_store_idx %arg10[%get3A_147], %broadcast_in_dim3A_3 {add = true} : memref<10000xf32, #tpu.memory_space<vmem>>[vector<16xi32>], vector<16xf32>,
        %get3A_148 = arith.constant 1 : i32
        %get3A_149 = arith.index_cast %get3A_148 : i32 to index
        %get3A_150 = arith.constant 48 : index
        %get3A_151 = tpu.vector_load %arg8[%get3A_149, %get3A_150] {strides = array<i32>} : memref<2x128xi32, #tpu.memory_space<vmem>>, vector<16xi32>,
        tpu.vector_store_idx %arg10[%get3A_151], %broadcast_in_dim3A_3 {add = true} : memref<10000xf32, #tpu.memory_space<vmem>>[vector<16xi32>], vector<16xf32>,
        %get3A_152 = arith.constant 1 : i32
        %get3A_153 = arith.index_cast %get3A_152 : i32 to index
        %get3A_154 = arith.constant 64 : index
        %get3A_155 = tpu.vector_load %arg8[%get3A_153, %get3A_154] {strides = array<i32>} : memref<2x128xi32, #tpu.memory_space<vmem>>, vector<16xi32>,
        tpu.vector_store_idx %arg10[%get3A_155], %broadcast_in_dim3A_3 {add = true} : memref<10000xf32, #tpu.memory_space<vmem>>[vector<16xi32>], vector<16xf32>,
        %get3A_156 = arith.constant 1 : i32
        %get3A_157 = arith.index_cast %get3A_156 : i32 to index
        %get3A_158 = arith.constant 80 : index
        %get3A_159 = tpu.vector_load %arg8[%get3A_157, %get3A_158] {strides = array<i32>} : memref<2x128xi32, #tpu.memory_space<vmem>>, vector<16xi32>,
        tpu.vector_store_idx %arg10[%get3A_159], %broadcast_in_dim3A_3 {add = true} : memref<10000xf32, #tpu.memory_space<vmem>>[vector<16xi32>], vector<16xf32>,
        %get3A_160 = arith.constant 1 : i32
        %get3A_161 = arith.index_cast %get3A_160 : i32 to index
        %get3A_162 = arith.constant 96 : index
        %get3A_163 = tpu.vector_load %arg8[%get3A_161, %get3A_162] {strides = array<i32>} : memref<2x128xi32, #tpu.memory_space<vmem>>, vector<16xi32>,
        tpu.vector_store_idx %arg10[%get3A_163], %broadcast_in_dim3A_3 {add = true} : memref<10000xf32, #tpu.memory_space<vmem>>[vector<16xi32>], vector<16xf32>,
        %get3A_164 = arith.constant 1 : i32
        %get3A_165 = arith.index_cast %get3A_164 : i32 to index
        %get3A_166 = arith.constant 112 : index
        %get3A_167 = tpu.vector_load %arg8[%get3A_165, %get3A_166] {strides = array<i32>} : memref<2x128xi32, #tpu.memory_space<vmem>>, vector<16xi32>,
        tpu.vector_store_idx %arg10[%get3A_167], %broadcast_in_dim3A_3 {add = true} : memref<10000xf32, #tpu.memory_space<vmem>>[vector<16xi32>], vector<16xf32>,
        %dma_wait3A_168 = arith.constant 0 : i32
        %dma_wait3A_169 = arith.constant 0 : i32
        %dma_wait3A_170 = tpu.memref_slice %arg8[%dma_wait3A_168, %dma_wait3A_169] : memref<2x128xi32, #tpu.memory_space<vmem>> -> memref<1x128xi32, #tpu.memory_space<vmem>>
        %dma_wait3A_171 = tpu.memref_squeeze %dma_wait3A_170 : memref<1x128xi32, #tpu.memory_space<vmem>> -> memref<128xi32, #tpu.memory_space<vmem>>
        %dma_wait3A_172 = arith.constant 0 : i32
        %dma_wait3A_173 = arith.constant 0 : i32
        %dma_wait3A_174 = tpu.memref_slice %arg11[%dma_wait3A_172, %dma_wait3A_173] : memref<10000x128xf32, #tpu.memory_space<vmem_shared>> -> memref<10000x128xf32, #tpu.memory_space<vmem_shared>>
        tpu.wait_indirect_dma semaphore(%arg14 : memref<!tpu.dma_semaphore, #tpu.memory_space<semaphore_mem>>) src(%arg6 : memref<128x128xf32, #tpu.memory_space<vmem>>) dst(%dma_wait3A_174 : memref<10000x128xf32, #tpu.memory_space<vmem_shared>>)
        %dma_wait3A_175 = arith.constant 1 : i32
        %dma_wait3A_176 = arith.constant 0 : i32
        %dma_wait3A_177 = tpu.memref_slice %arg8[%dma_wait3A_175, %dma_wait3A_176] : memref<2x128xi32, #tpu.memory_space<vmem>> -> memref<1x128xi32, #tpu.memory_space<vmem>>
        %dma_wait3A_178 = tpu.memref_squeeze %dma_wait3A_177 : memref<1x128xi32, #tpu.memory_space<vmem>> -> memref<128xi32, #tpu.memory_space<vmem>>
        %dma_wait3A_179 = arith.constant 0 : i32
        %dma_wait3A_180 = arith.constant 0 : i32
        %dma_wait3A_181 = tpu.memref_slice %arg11[%dma_wait3A_179, %dma_wait3A_180] : memref<10000x128xf32, #tpu.memory_space<vmem_shared>> -> memref<10000x128xf32, #tpu.memory_space<vmem_shared>>
        tpu.wait_indirect_dma semaphore(%arg14 : memref<!tpu.dma_semaphore, #tpu.memory_space<semaphore_mem>>) src(%arg6 : memref<128x128xf32, #tpu.memory_space<vmem>>) dst(%dma_wait3A_181 : memref<10000x128xf32, #tpu.memory_space<vmem_shared>>)
        %add3A_182 = arith.constant 64 : i32
        %add3A_183 = arith.addi %add3A_65, %add3A_182 : i32
        %lt3A_184 = arith.constant 2500 : i32
        %lt3A_185 = arith.cmpi slt, %add3A_183, %lt3A_184 : i32
        %convert_element_type3A_186 = arith.extui %lt3A_185 : i1 to i32
        %cond3A_187 = arith.constant 0 : i32
        %cond3A_188 = arith.cmpi ne, %convert_element_type3A_186, %cond3A_187 : i32
        scf.if %cond3A_188 {
          %mul3A_189 = arith.constant 128 : i32
          %mul3A_190 = arith.muli %add3A_183, %mul3A_189 : i32
          %dma_start3A_191 = arith.constant 0 : i32
          %dma_start3A_192 = tpu.memref_slice %arg2[%mul3A_190, %dma_start3A_191] : memref<320000x128xf32, #tpu.memory_space<hbm>> -> memref<128x128xf32, #tpu.memory_space<hbm>>
          %dma_start3A_193 = arith.constant 0 : i32
          %dma_start3A_194 = tpu.memref_slice %arg2[%mul3A_190, %dma_start3A_193] : memref<320000x128xf32, #tpu.memory_space<hbm>> -> memref<128x128xf32, #tpu.memory_space<hbm>>
          tpu.enqueue_dma source(%dma_start3A_194 : memref<128x128xf32, #tpu.memory_space<hbm>>) target(%arg6 : memref<128x128xf32, #tpu.memory_space<vmem>>) target_semaphore(%arg12 : memref<!tpu.dma_semaphore, #tpu.memory_space<semaphore_mem>>)
          %dma_start3A_195 = arith.constant 0 : i32
          %dma_start3A_196 = tpu.memref_slice %arg3[%dma_start3A_195, %mul3A_190] : memref<2x320000xi32, #tpu.memory_space<hbm>> -> memref<2x128xi32, #tpu.memory_space<hbm>>
          %dma_start3A_197 = arith.constant 0 : i32
          %dma_start3A_198 = tpu.memref_slice %arg3[%dma_start3A_197, %mul3A_190] : memref<2x320000xi32, #tpu.memory_space<hbm>> -> memref<2x128xi32, #tpu.memory_space<hbm>>
          tpu.enqueue_dma source(%dma_start3A_198 : memref<2x128xi32, #tpu.memory_space<hbm>>) target(%arg8 : memref<2x128xi32, #tpu.memory_space<vmem>>) target_semaphore(%arg12 : memref<!tpu.dma_semaphore, #tpu.memory_space<semaphore_mem>>)
        } else {
        }
      } else {
      }
      %mul3A_70 = arith.constant 2 : i32
      %mul3A_71 = arith.muli %mul3A_70, %add3A_60 : i32
      %add3A_72 = arith.constant 1 : i32
      %add3A_73 = arith.addi %mul3A_71, %add3A_72 : i32
      %mul3A_74 = arith.constant 32 : i32
      %mul3A_75 = arith.muli %add3A_73, %mul3A_74 : i32
      %add3A_76 = arith.addi %mul3A_75, %add3A : i32
      %lt3A_77 = arith.constant 2500 : i32
      %lt3A_78 = arith.cmpi slt, %add3A_76, %lt3A_77 : i32
      %convert_element_type3A_79 = arith.extui %lt3A_78 : i1 to i32
      %cond3A_80 = arith.constant 0 : i32
      %cond3A_81 = arith.cmpi ne, %convert_element_type3A_79, %cond3A_80 : i32
      scf.if %cond3A_81 {
        %mul3A_82 = arith.constant 128 : i32
        %mul3A_83 = arith.muli %add3A_76, %mul3A_82 : i32
        %dma_wait3A = arith.constant 0 : i32
        %dma_wait3A_84 = tpu.memref_slice %arg2[%mul3A_83, %dma_wait3A] : memref<320000x128xf32, #tpu.memory_space<hbm>> -> memref<128x128xf32, #tpu.memory_space<hbm>>
        %dma_wait3A_85 = arith.constant 0 : i32
        %dma_wait3A_86 = tpu.memref_slice %arg2[%mul3A_83, %dma_wait3A_85] : memref<320000x128xf32, #tpu.memory_space<hbm>> -> memref<128x128xf32, #tpu.memory_space<hbm>>
        tpu.wait_dma2 semaphore(%arg13 : memref<!tpu.dma_semaphore, #tpu.memory_space<semaphore_mem>>) src(%dma_wait3A_86 : memref<128x128xf32, #tpu.memory_space<hbm>>) dst(%arg7 : memref<128x128xf32, #tpu.memory_space<vmem>>)
        %dma_wait3A_87 = arith.constant 0 : i32
        %dma_wait3A_88 = tpu.memref_slice %arg3[%dma_wait3A_87, %mul3A_83] : memref<2x320000xi32, #tpu.memory_space<hbm>> -> memref<2x128xi32, #tpu.memory_space<hbm>>
        %dma_wait3A_89 = arith.constant 0 : i32
        %dma_wait3A_90 = tpu.memref_slice %arg3[%dma_wait3A_89, %mul3A_83] : memref<2x320000xi32, #tpu.memory_space<hbm>> -> memref<2x128xi32, #tpu.memory_space<hbm>>
        tpu.wait_dma2 semaphore(%arg13 : memref<!tpu.dma_semaphore, #tpu.memory_space<semaphore_mem>>) src(%dma_wait3A_90 : memref<2x128xi32, #tpu.memory_space<hbm>>) dst(%arg9 : memref<2x128xi32, #tpu.memory_space<vmem>>)
        %dma_start3A_91 = arith.constant 0 : i32
        %dma_start3A_92 = arith.constant 0 : i32
        %dma_start3A_93 = tpu.memref_slice %arg9[%dma_start3A_91, %dma_start3A_92] : memref<2x128xi32, #tpu.memory_space<vmem>> -> memref<1x128xi32, #tpu.memory_space<vmem>>
        %dma_start3A_94 = tpu.memref_squeeze %dma_start3A_93 : memref<1x128xi32, #tpu.memory_space<vmem>> -> memref<128xi32, #tpu.memory_space<vmem>>
        %dma_start3A_95 = arith.constant 0 : i32
        %dma_start3A_96 = arith.constant 0 : i32
        %dma_start3A_97 = tpu.memref_slice %arg11[%dma_start3A_95, %dma_start3A_96] : memref<10000x128xf32, #tpu.memory_space<vmem_shared>> -> memref<10000x128xf32, #tpu.memory_space<vmem_shared>>
        tpu.enqueue_indirect_dma source(%arg7 : memref<128x128xf32, #tpu.memory_space<vmem>>) target(%dma_start3A_97 : memref<10000x128xf32, #tpu.memory_space<vmem_shared>>) offsets(%dma_start3A_94 : memref<128xi32, #tpu.memory_space<vmem>>) semaphore(%arg15 : memref<!tpu.dma_semaphore, #tpu.memory_space<semaphore_mem>>) {add = true}
        %dma_start3A_98 = arith.constant 1 : i32
        %dma_start3A_99 = arith.constant 0 : i32
        %dma_start3A_100 = tpu.memref_slice %arg9[%dma_start3A_98, %dma_start3A_99] : memref<2x128xi32, #tpu.memory_space<vmem>> -> memref<1x128xi32, #tpu.memory_space<vmem>>
        %dma_start3A_101 = tpu.memref_squeeze %dma_start3A_100 : memref<1x128xi32, #tpu.memory_space<vmem>> -> memref<128xi32, #tpu.memory_space<vmem>>
        %dma_start3A_102 = arith.constant 0 : i32
        %dma_start3A_103 = arith.constant 0 : i32
        %dma_start3A_104 = tpu.memref_slice %arg11[%dma_start3A_102, %dma_start3A_103] : memref<10000x128xf32, #tpu.memory_space<vmem_shared>> -> memref<10000x128xf32, #tpu.memory_space<vmem_shared>>
        tpu.enqueue_indirect_dma source(%arg7 : memref<128x128xf32, #tpu.memory_space<vmem>>) target(%dma_start3A_104 : memref<10000x128xf32, #tpu.memory_space<vmem_shared>>) offsets(%dma_start3A_101 : memref<128xi32, #tpu.memory_space<vmem>>) semaphore(%arg15 : memref<!tpu.dma_semaphore, #tpu.memory_space<semaphore_mem>>) {add = true}
        %get3A = arith.constant 0 : i32
        %get3A_105 = arith.index_cast %get3A : i32 to index
        %get3A_106 = arith.constant 0 : index
        %get3A_107 = tpu.vector_load %arg9[%get3A_105, %get3A_106] {strides = array<i32>} : memref<2x128xi32, #tpu.memory_space<vmem>>, vector<16xi32>,
        tpu.vector_store_idx %arg10[%get3A_107], %broadcast_in_dim3A_3 {add = true} : memref<10000xf32, #tpu.memory_space<vmem>>[vector<16xi32>], vector<16xf32>,
        %get3A_108 = arith.constant 0 : i32
        %get3A_109 = arith.index_cast %get3A_108 : i32 to index
        %get3A_110 = arith.constant 16 : index
        %get3A_111 = tpu.vector_load %arg9[%get3A_109, %get3A_110] {strides = array<i32>} : memref<2x128xi32, #tpu.memory_space<vmem>>, vector<16xi32>,
        tpu.vector_store_idx %arg10[%get3A_111], %broadcast_in_dim3A_3 {add = true} : memref<10000xf32, #tpu.memory_space<vmem>>[vector<16xi32>], vector<16xf32>,
        %get3A_112 = arith.constant 0 : i32
        %get3A_113 = arith.index_cast %get3A_112 : i32 to index
        %get3A_114 = arith.constant 32 : index
        %get3A_115 = tpu.vector_load %arg9[%get3A_113, %get3A_114] {strides = array<i32>} : memref<2x128xi32, #tpu.memory_space<vmem>>, vector<16xi32>,
        tpu.vector_store_idx %arg10[%get3A_115], %broadcast_in_dim3A_3 {add = true} : memref<10000xf32, #tpu.memory_space<vmem>>[vector<16xi32>], vector<16xf32>,
        %get3A_116 = arith.constant 0 : i32
        %get3A_117 = arith.index_cast %get3A_116 : i32 to index
        %get3A_118 = arith.constant 48 : index
        %get3A_119 = tpu.vector_load %arg9[%get3A_117, %get3A_118] {strides = array<i32>} : memref<2x128xi32, #tpu.memory_space<vmem>>, vector<16xi32>,
        tpu.vector_store_idx %arg10[%get3A_119], %broadcast_in_dim3A_3 {add = true} : memref<10000xf32, #tpu.memory_space<vmem>>[vector<16xi32>], vector<16xf32>,
        %get3A_120 = arith.constant 0 : i32
        %get3A_121 = arith.index_cast %get3A_120 : i32 to index
        %get3A_122 = arith.constant 64 : index
        %get3A_123 = tpu.vector_load %arg9[%get3A_121, %get3A_122] {strides = array<i32>} : memref<2x128xi32, #tpu.memory_space<vmem>>, vector<16xi32>,
        tpu.vector_store_idx %arg10[%get3A_123], %broadcast_in_dim3A_3 {add = true} : memref<10000xf32, #tpu.memory_space<vmem>>[vector<16xi32>], vector<16xf32>,
        %get3A_124 = arith.constant 0 : i32
        %get3A_125 = arith.index_cast %get3A_124 : i32 to index
        %get3A_126 = arith.constant 80 : index
        %get3A_127 = tpu.vector_load %arg9[%get3A_125, %get3A_126] {strides = array<i32>} : memref<2x128xi32, #tpu.memory_space<vmem>>, vector<16xi32>,
        tpu.vector_store_idx %arg10[%get3A_127], %broadcast_in_dim3A_3 {add = true} : memref<10000xf32, #tpu.memory_space<vmem>>[vector<16xi32>], vector<16xf32>,
        %get3A_128 = arith.constant 0 : i32
        %get3A_129 = arith.index_cast %get3A_128 : i32 to index
        %get3A_130 = arith.constant 96 : index
        %get3A_131 = tpu.vector_load %arg9[%get3A_129, %get3A_130] {strides = array<i32>} : memref<2x128xi32, #tpu.memory_space<vmem>>, vector<16xi32>,
        tpu.vector_store_idx %arg10[%get3A_131], %broadcast_in_dim3A_3 {add = true} : memref<10000xf32, #tpu.memory_space<vmem>>[vector<16xi32>], vector<16xf32>,
        %get3A_132 = arith.constant 0 : i32
        %get3A_133 = arith.index_cast %get3A_132 : i32 to index
        %get3A_134 = arith.constant 112 : index
        %get3A_135 = tpu.vector_load %arg9[%get3A_133, %get3A_134] {strides = array<i32>} : memref<2x128xi32, #tpu.memory_space<vmem>>, vector<16xi32>,
        tpu.vector_store_idx %arg10[%get3A_135], %broadcast_in_dim3A_3 {add = true} : memref<10000xf32, #tpu.memory_space<vmem>>[vector<16xi32>], vector<16xf32>,
        %get3A_136 = arith.constant 1 : i32
        %get3A_137 = arith.index_cast %get3A_136 : i32 to index
        %get3A_138 = arith.constant 0 : index
        %get3A_139 = tpu.vector_load %arg9[%get3A_137, %get3A_138] {strides = array<i32>} : memref<2x128xi32, #tpu.memory_space<vmem>>, vector<16xi32>,
        tpu.vector_store_idx %arg10[%get3A_139], %broadcast_in_dim3A_3 {add = true} : memref<10000xf32, #tpu.memory_space<vmem>>[vector<16xi32>], vector<16xf32>,
        %get3A_140 = arith.constant 1 : i32
        %get3A_141 = arith.index_cast %get3A_140 : i32 to index
        %get3A_142 = arith.constant 16 : index
        %get3A_143 = tpu.vector_load %arg9[%get3A_141, %get3A_142] {strides = array<i32>} : memref<2x128xi32, #tpu.memory_space<vmem>>, vector<16xi32>,
        tpu.vector_store_idx %arg10[%get3A_143], %broadcast_in_dim3A_3 {add = true} : memref<10000xf32, #tpu.memory_space<vmem>>[vector<16xi32>], vector<16xf32>,
        %get3A_144 = arith.constant 1 : i32
        %get3A_145 = arith.index_cast %get3A_144 : i32 to index
        %get3A_146 = arith.constant 32 : index
        %get3A_147 = tpu.vector_load %arg9[%get3A_145, %get3A_146] {strides = array<i32>} : memref<2x128xi32, #tpu.memory_space<vmem>>, vector<16xi32>,
        tpu.vector_store_idx %arg10[%get3A_147], %broadcast_in_dim3A_3 {add = true} : memref<10000xf32, #tpu.memory_space<vmem>>[vector<16xi32>], vector<16xf32>,
        %get3A_148 = arith.constant 1 : i32
        %get3A_149 = arith.index_cast %get3A_148 : i32 to index
        %get3A_150 = arith.constant 48 : index
        %get3A_151 = tpu.vector_load %arg9[%get3A_149, %get3A_150] {strides = array<i32>} : memref<2x128xi32, #tpu.memory_space<vmem>>, vector<16xi32>,
        tpu.vector_store_idx %arg10[%get3A_151], %broadcast_in_dim3A_3 {add = true} : memref<10000xf32, #tpu.memory_space<vmem>>[vector<16xi32>], vector<16xf32>,
        %get3A_152 = arith.constant 1 : i32
        %get3A_153 = arith.index_cast %get3A_152 : i32 to index
        %get3A_154 = arith.constant 64 : index
        %get3A_155 = tpu.vector_load %arg9[%get3A_153, %get3A_154] {strides = array<i32>} : memref<2x128xi32, #tpu.memory_space<vmem>>, vector<16xi32>,
        tpu.vector_store_idx %arg10[%get3A_155], %broadcast_in_dim3A_3 {add = true} : memref<10000xf32, #tpu.memory_space<vmem>>[vector<16xi32>], vector<16xf32>,
        %get3A_156 = arith.constant 1 : i32
        %get3A_157 = arith.index_cast %get3A_156 : i32 to index
        %get3A_158 = arith.constant 80 : index
        %get3A_159 = tpu.vector_load %arg9[%get3A_157, %get3A_158] {strides = array<i32>} : memref<2x128xi32, #tpu.memory_space<vmem>>, vector<16xi32>,
        tpu.vector_store_idx %arg10[%get3A_159], %broadcast_in_dim3A_3 {add = true} : memref<10000xf32, #tpu.memory_space<vmem>>[vector<16xi32>], vector<16xf32>,
        %get3A_160 = arith.constant 1 : i32
        %get3A_161 = arith.index_cast %get3A_160 : i32 to index
        %get3A_162 = arith.constant 96 : index
        %get3A_163 = tpu.vector_load %arg9[%get3A_161, %get3A_162] {strides = array<i32>} : memref<2x128xi32, #tpu.memory_space<vmem>>, vector<16xi32>,
        tpu.vector_store_idx %arg10[%get3A_163], %broadcast_in_dim3A_3 {add = true} : memref<10000xf32, #tpu.memory_space<vmem>>[vector<16xi32>], vector<16xf32>,
        %get3A_164 = arith.constant 1 : i32
        %get3A_165 = arith.index_cast %get3A_164 : i32 to index
        %get3A_166 = arith.constant 112 : index
        %get3A_167 = tpu.vector_load %arg9[%get3A_165, %get3A_166] {strides = array<i32>} : memref<2x128xi32, #tpu.memory_space<vmem>>, vector<16xi32>,
        tpu.vector_store_idx %arg10[%get3A_167], %broadcast_in_dim3A_3 {add = true} : memref<10000xf32, #tpu.memory_space<vmem>>[vector<16xi32>], vector<16xf32>,
        %dma_wait3A_168 = arith.constant 0 : i32
        %dma_wait3A_169 = arith.constant 0 : i32
        %dma_wait3A_170 = tpu.memref_slice %arg9[%dma_wait3A_168, %dma_wait3A_169] : memref<2x128xi32, #tpu.memory_space<vmem>> -> memref<1x128xi32, #tpu.memory_space<vmem>>
        %dma_wait3A_171 = tpu.memref_squeeze %dma_wait3A_170 : memref<1x128xi32, #tpu.memory_space<vmem>> -> memref<128xi32, #tpu.memory_space<vmem>>
        %dma_wait3A_172 = arith.constant 0 : i32
        %dma_wait3A_173 = arith.constant 0 : i32
        %dma_wait3A_174 = tpu.memref_slice %arg11[%dma_wait3A_172, %dma_wait3A_173] : memref<10000x128xf32, #tpu.memory_space<vmem_shared>> -> memref<10000x128xf32, #tpu.memory_space<vmem_shared>>
        tpu.wait_indirect_dma semaphore(%arg15 : memref<!tpu.dma_semaphore, #tpu.memory_space<semaphore_mem>>) src(%arg7 : memref<128x128xf32, #tpu.memory_space<vmem>>) dst(%dma_wait3A_174 : memref<10000x128xf32, #tpu.memory_space<vmem_shared>>)
        %dma_wait3A_175 = arith.constant 1 : i32
        %dma_wait3A_176 = arith.constant 0 : i32
        %dma_wait3A_177 = tpu.memref_slice %arg9[%dma_wait3A_175, %dma_wait3A_176] : memref<2x128xi32, #tpu.memory_space<vmem>> -> memref<1x128xi32, #tpu.memory_space<vmem>>
        %dma_wait3A_178 = tpu.memref_squeeze %dma_wait3A_177 : memref<1x128xi32, #tpu.memory_space<vmem>> -> memref<128xi32, #tpu.memory_space<vmem>>
        %dma_wait3A_179 = arith.constant 0 : i32
        %dma_wait3A_180 = arith.constant 0 : i32
        %dma_wait3A_181 = tpu.memref_slice %arg11[%dma_wait3A_179, %dma_wait3A_180] : memref<10000x128xf32, #tpu.memory_space<vmem_shared>> -> memref<10000x128xf32, #tpu.memory_space<vmem_shared>>
        tpu.wait_indirect_dma semaphore(%arg15 : memref<!tpu.dma_semaphore, #tpu.memory_space<semaphore_mem>>) src(%arg7 : memref<128x128xf32, #tpu.memory_space<vmem>>) dst(%dma_wait3A_181 : memref<10000x128xf32, #tpu.memory_space<vmem_shared>>)
        %add3A_182 = arith.constant 64 : i32
        %add3A_183 = arith.addi %add3A_76, %add3A_182 : i32
        %lt3A_184 = arith.constant 2500 : i32
        %lt3A_185 = arith.cmpi slt, %add3A_183, %lt3A_184 : i32
        %convert_element_type3A_186 = arith.extui %lt3A_185 : i1 to i32
        %cond3A_187 = arith.constant 0 : i32
        %cond3A_188 = arith.cmpi ne, %convert_element_type3A_186, %cond3A_187 : i32
        scf.if %cond3A_188 {
          %mul3A_189 = arith.constant 128 : i32
          %mul3A_190 = arith.muli %add3A_183, %mul3A_189 : i32
          %dma_start3A_191 = arith.constant 0 : i32
          %dma_start3A_192 = tpu.memref_slice %arg2[%mul3A_190, %dma_start3A_191] : memref<320000x128xf32, #tpu.memory_space<hbm>> -> memref<128x128xf32, #tpu.memory_space<hbm>>
          %dma_start3A_193 = arith.constant 0 : i32
          %dma_start3A_194 = tpu.memref_slice %arg2[%mul3A_190, %dma_start3A_193] : memref<320000x128xf32, #tpu.memory_space<hbm>> -> memref<128x128xf32, #tpu.memory_space<hbm>>
          tpu.enqueue_dma source(%dma_start3A_194 : memref<128x128xf32, #tpu.memory_space<hbm>>) target(%arg7 : memref<128x128xf32, #tpu.memory_space<vmem>>) target_semaphore(%arg13 : memref<!tpu.dma_semaphore, #tpu.memory_space<semaphore_mem>>)
          %dma_start3A_195 = arith.constant 0 : i32
          %dma_start3A_196 = tpu.memref_slice %arg3[%dma_start3A_195, %mul3A_190] : memref<2x320000xi32, #tpu.memory_space<hbm>> -> memref<2x128xi32, #tpu.memory_space<hbm>>
          %dma_start3A_197 = arith.constant 0 : i32
          %dma_start3A_198 = tpu.memref_slice %arg3[%dma_start3A_197, %mul3A_190] : memref<2x320000xi32, #tpu.memory_space<hbm>> -> memref<2x128xi32, #tpu.memory_space<hbm>>
          tpu.enqueue_dma source(%dma_start3A_198 : memref<2x128xi32, #tpu.memory_space<hbm>>) target(%arg9 : memref<2x128xi32, #tpu.memory_space<vmem>>) target_semaphore(%arg13 : memref<!tpu.dma_semaphore, #tpu.memory_space<semaphore_mem>>)
        } else {
        }
      } else {
      }
    }
    %scan3A_49 = arith.constant 40 : i32
    %barrier3A_50 = arith.constant 0 : index
    tpu.barrier barrier_id(%barrier3A_50)
    "tpu.region"() ({
      %run_scoped3A = tpu.sem_alloc : memref<!tpu.dma_semaphore, #tpu.memory_space<semaphore_mem>>
      %dma_start3A_56 = arith.constant 0 : i32
      %dma_start3A_57 = tpu.memref_slice %arg4[%arg0, %mul3A_25, %dma_start3A_56] : memref<2x10000x128xf32, #tpu.memory_space<hbm>> -> memref<1x624x128xf32, #tpu.memory_space<hbm>>
      %dma_start3A_58 = tpu.memref_squeeze %dma_start3A_57 : memref<1x624x128xf32, #tpu.memory_space<hbm>> -> memref<624x128xf32, #tpu.memory_space<hbm>>
      %dma_start3A_59 = arith.constant 0 : i32
      %dma_start3A_60 = tpu.memref_slice %arg11[%mul3A_25, %dma_start3A_59] : memref<10000x128xf32, #tpu.memory_space<vmem_shared>> -> memref<624x128xf32, #tpu.memory_space<vmem_shared>>
      tpu.enqueue_dma source(%dma_start3A_60 : memref<624x128xf32, #tpu.memory_space<vmem_shared>>) target(%dma_start3A_58 : memref<624x128xf32, #tpu.memory_space<hbm>>) target_semaphore(%run_scoped3A : memref<!tpu.dma_semaphore, #tpu.memory_space<semaphore_mem>>)
      %dma_wait3A = arith.constant 0 : i32
      %dma_wait3A_61 = tpu.memref_slice %arg4[%arg0, %mul3A_25, %dma_wait3A] : memref<2x10000x128xf32, #tpu.memory_space<hbm>> -> memref<1x624x128xf32, #tpu.memory_space<hbm>>
      %dma_wait3A_62 = tpu.memref_squeeze %dma_wait3A_61 : memref<1x624x128xf32, #tpu.memory_space<hbm>> -> memref<624x128xf32, #tpu.memory_space<hbm>>
      %dma_wait3A_63 = arith.constant 0 : i32
      %dma_wait3A_64 = tpu.memref_slice %arg11[%mul3A_25, %dma_wait3A_63] : memref<10000x128xf32, #tpu.memory_space<vmem_shared>> -> memref<624x128xf32, #tpu.memory_space<vmem_shared>>
      tpu.wait_dma2 semaphore(%run_scoped3A : memref<!tpu.dma_semaphore, #tpu.memory_space<semaphore_mem>>) src(%dma_wait3A_64 : memref<624x128xf32, #tpu.memory_space<vmem_shared>>) dst(%dma_wait3A_62 : memref<624x128xf32, #tpu.memory_space<hbm>>)
      tpu.yield
    }) : () -> ()
    "tpu.region"() ({
      %run_scoped3A = tpu.sem_alloc : memref<!tpu.dma_semaphore, #tpu.memory_space<semaphore_mem>>
      %dma_start3A_56 = arith.constant 0 : i32
      %dma_start3A_57 = tpu.memref_slice %arg5[%add3A, %dma_start3A_56] : memref<32x10000xf32, #tpu.memory_space<hbm>> -> memref<1x10000xf32, #tpu.memory_space<hbm>>
      %dma_start3A_58 = tpu.memref_squeeze %dma_start3A_57 : memref<1x10000xf32, #tpu.memory_space<hbm>> -> memref<10000xf32, #tpu.memory_space<hbm>>
      %dma_start3A_59 = arith.constant 0 : i32
      %dma_start3A_60 = tpu.memref_slice %arg5[%add3A, %dma_start3A_59] : memref<32x10000xf32, #tpu.memory_space<hbm>> -> memref<1x10000xf32, #tpu.memory_space<hbm>>
      %dma_start3A_61 = tpu.memref_squeeze %dma_start3A_60 : memref<1x10000xf32, #tpu.memory_space<hbm>> -> memref<10000xf32, #tpu.memory_space<hbm>>
      tpu.enqueue_dma source(%arg10 : memref<10000xf32, #tpu.memory_space<vmem>>) target(%dma_start3A_61 : memref<10000xf32, #tpu.memory_space<hbm>>) target_semaphore(%run_scoped3A : memref<!tpu.dma_semaphore, #tpu.memory_space<semaphore_mem>>)
      %dma_wait3A = arith.constant 0 : i32
      %dma_wait3A_62 = tpu.memref_slice %arg5[%add3A, %dma_wait3A] : memref<32x10000xf32, #tpu.memory_space<hbm>> -> memref<1x10000xf32, #tpu.memory_space<hbm>>
      %dma_wait3A_63 = tpu.memref_squeeze %dma_wait3A_62 : memref<1x10000xf32, #tpu.memory_space<hbm>> -> memref<10000xf32, #tpu.memory_space<hbm>>
      %dma_wait3A_64 = arith.constant 0 : i32
      %dma_wait3A_65 = tpu.memref_slice %arg5[%add3A, %dma_wait3A_64] : memref<32x10000xf32, #tpu.memory_space<hbm>> -> memref<1x10000xf32, #tpu.memory_space<hbm>>
      %dma_wait3A_66 = tpu.memref_squeeze %dma_wait3A_65 : memref<1x10000xf32, #tpu.memory_space<hbm>> -> memref<10000xf32, #tpu.memory_space<hbm>>
      tpu.wait_dma2 semaphore(%run_scoped3A : memref<!tpu.dma_semaphore, #tpu.memory_space<semaphore_mem>>) src(%arg10 : memref<10000xf32, #tpu.memory_space<vmem>>) dst(%dma_wait3A_66 : memref<10000xf32, #tpu.memory_space<hbm>>)
      tpu.yield
    }) : () -> ()
    %eq3A_51 = arith.constant 15 : i32
    %eq3A_52 = arith.cmpi eq, %arg1, %eq3A_51 : i32
    %convert_element_type3A_53 = arith.extui %eq3A_52 : i1 to i32
    %cond3A_54 = arith.constant 0 : i32
    %cond3A_55 = arith.cmpi ne, %convert_element_type3A_53, %cond3A_54 : i32
    scf.if %cond3A_55 {
      "tpu.region"() ({
        %run_scoped3A = tpu.sem_alloc : memref<!tpu.dma_semaphore, #tpu.memory_space<semaphore_mem>>
        %dma_start3A_56 = arith.constant 9984 : i32
        %dma_start3A_57 = arith.constant 0 : i32
        %dma_start3A_58 = tpu.memref_slice %arg4[%arg0, %dma_start3A_56, %dma_start3A_57] : memref<2x10000x128xf32, #tpu.memory_space<hbm>> -> memref<1x16x128xf32, #tpu.memory_space<hbm>>
        %dma_start3A_59 = tpu.memref_squeeze %dma_start3A_58 : memref<1x16x128xf32, #tpu.memory_space<hbm>> -> memref<16x128xf32, #tpu.memory_space<hbm>>
        %dma_start3A_60 = arith.constant 9984 : i32
        %dma_start3A_61 = arith.constant 0 : i32
        %dma_start3A_62 = tpu.memref_slice %arg11[%dma_start3A_60, %dma_start3A_61] : memref<10000x128xf32, #tpu.memory_space<vmem_shared>> -> memref<16x128xf32, #tpu.memory_space<vmem_shared>>
        tpu.enqueue_dma source(%dma_start3A_62 : memref<16x128xf32, #tpu.memory_space<vmem_shared>>) target(%dma_start3A_59 : memref<16x128xf32, #tpu.memory_space<hbm>>) target_semaphore(%run_scoped3A : memref<!tpu.dma_semaphore, #tpu.memory_space<semaphore_mem>>)
        %dma_wait3A = arith.constant 9984 : i32
        %dma_wait3A_63 = arith.constant 0 : i32
        %dma_wait3A_64 = tpu.memref_slice %arg4[%arg0, %dma_wait3A, %dma_wait3A_63] : memref<2x10000x128xf32, #tpu.memory_space<hbm>> -> memref<1x16x128xf32, #tpu.memory_space<hbm>>
        %dma_wait3A_65 = tpu.memref_squeeze %dma_wait3A_64 : memref<1x16x128xf32, #tpu.memory_space<hbm>> -> memref<16x128xf32, #tpu.memory_space<hbm>>
        %dma_wait3A_66 = arith.constant 9984 : i32
        %dma_wait3A_67 = arith.constant 0 : i32
        %dma_wait3A_68 = tpu.memref_slice %arg11[%dma_wait3A_66, %dma_wait3A_67] : memref<10000x128xf32, #tpu.memory_space<vmem_shared>> -> memref<16x128xf32, #tpu.memory_space<vmem_shared>>
        tpu.wait_dma2 semaphore(%run_scoped3A : memref<!tpu.dma_semaphore, #tpu.memory_space<semaphore_mem>>) src(%dma_wait3A_68 : memref<16x128xf32, #tpu.memory_space<vmem_shared>>) dst(%dma_wait3A_65 : memref<16x128xf32, #tpu.memory_space<hbm>>)
        tpu.yield
      }) : () -> ()
    } else {
    }
    return
  }
}

</mosaic_0001>

<sc_bundles>
// kernel: _sc_scatter.3.cloned.1.call-start
scs
__scs_entry_jumppad:
0x0: {  	(pc) =	sbr.rel $0x88, $3  }
0x1: {  	(tag) =	ssettag $0x0;
	lr =	simm.s32 $0x1  }
0x2: {  	[smem:$0x3F9F] =	sst lr;
	_ =	strace $0xD0000000  }
0x3: {  	_ = 	snop  }
0x4: {  	_ = 	snop  }
0x5: {  	_ = 	snop  }
0x6: {  	_ = 	snop  }
0x7: {  	_ = 	snop  }
__scs_overlays_trampoline_lowered:
0x8: {  	[smem:$0x3FAE] =	sst s0  }
0x9: {  	[smem:$0x3FAF] =	sst s1  }
0xa: {  	[smem:$0x3FB0] =	sst s2  }
0xb: {  	[smem:$0x3FB1] =	sst s3  }
0xc: {  	[smem:$0x3FB2] =	sst s4  }
0xd: {  	[smem:$0x3FB3] =	sst s5  }
0xe: {  	[smem:$0x3FB4] =	sst s6  }
0xf: {  	[smem:$0x3FB5] =	sst s7  }
0x10: {  	[smem:$0x3FB6] =	sst s8  }
0x11: {  	[smem:$0x3FB7] =	sst s9;
	s0 =	simm.s32 @!p0 $0x0  }
0x12: {  	s1 =	sld [smem:$0x3F9D];
	s0 =	simm.s32 @p0 $0x1  }
0x13: {  	[smem:$0x3FB8] =	sst s0;
	s0 =	simm.s32 @!p1 $0x0  }
0x14: {  	s2 =	sld [smem:$0x3F9C];
	s0 =	simm.s32 @p1 $0x1  }
0x15: {  	[smem:$0x3FB9] =	sst s0;
	s0 =	simm.s32 @!p2 $0x0  }
0x16: {  	s3 =	sld [smem:$0x3FDB];
	s0 =	simm.s32 @p2 $0x1  }
0x17: {  	s4 =	simm.s32 $0x1BF5;
	[smem:$0x3FBB] =	sst s0  }
0x18: {  	s0 =	sld [smem:$0x3F9E];
	_ =	swait.ge [sflag:s4], $0x0  }
0x19: {  	s7 =	sld [smem:$0x3F9F]  }
0x1a: {  	s8 =	sadd.s32 $0xFFFFE003, lr  }
0x1b: {  	s9 =	sadd.s32 $0xFFFFFEF7, lr;
	s5 =	simm.s32 $0xFFFFFFFF;
	p2 =	slt.u32 s8, $0xFFFFF086  }
0x1c: {  	p1 =	slt.u32 s9, $0xF7A;
	s5 =	simm.s32 @!p2 $0x0  }
0x1d: {  	s5 =	simm.s32 @p1 $0x1;
	p0 =	seq.s32 s7, s2  }
0x1e: {  	s7 =	smul.u32 @!p0 $0xF7A, s2;
	p2 =	seq.s32 @!p0 s5, $0x0  }
0x1f: {  	s9 =	smul.u32 $0xF7A, s1;
	s8 =	simm.s32 @!p0 $0x1BF5;
	p2 =	por !p2, p0  }
0x20: {  	[sflag:s8] =	ssyncset.s32 @!p0 $0xFFFFF086;
	s6 =	sadd.s32 @!p0 s3, s7;
	s7 =	simm.s32 @!p0 $0x108  }
0x21: {  	s3 =	sadd.s32 s3, s9;
	s6 =	sadd.s32 @!p0 $0x88, s6;
	s7 =	simm.s32 @p2 $0x1082  }
0x22: {  	[simem:s7], [sflag:s8] =	dma.local @!p0 [hbm:s6], $0xF7A  }
0x23: {  	s9 =	sor.u32 $0xD0000000, s2;
	s6 =	simm.s32 $0x108;
	_ =	swait.ge @!p0 [sflag:s8], $0x0  }
0x24: {  	s3 =	sadd.s32 $0x88, s3;
	s6 =	simm.s32 @!p1 $0x1082;
	[sflag:s4] =	ssyncset.s32 $0xFFFFF086  }
0x25: {  	[simem:s6], [sflag:s4] =	dma.local [hbm:s3], $0xF7A  }
0x26: {  	[smem:$0x3F9F] =	sst s1;
	(tag) =	ssettag s2;
	_ =	strace s9  }
0x27: {  	s1 =	sld [smem:$0x3FAF]  }
0x28: {  	s2 =	sld [smem:$0x3FB0]  }
0x29: {  	s4 =	sld [smem:$0x3FB2]  }
0x2a: {  	p0 =	seq.s32 s5, $0x0;
	s5 =	sld [smem:$0x3FB3]  }
0x2b: {  	s6 =	sld [smem:$0x3FB4]  }
0x2c: {  	s7 =	sld [smem:$0x3FB5]  }
0x2d: {  	s3 =	simm.s32 $0x108;
	s8 =	sld [smem:$0x3FB6]  }
0x2e: {  	s3 =	simm.s32 @!p0 $0x1082;
	s9 =	sld [smem:$0x3FB7]  }
0x2f: {  	lr =	sadd.s32 s0, s3;
	s0 =	sld [smem:$0x3FAE]  }
0x30: {  	s3 =	sld [smem:$0x3FB1]  }
0x31: {  	[smem:$0x3FBA] =	sst s10  }
0x32: {  	s10 =	sld [smem:$0x3FB8];
	_ =	sdelay $0x3  }
0x33: {  	p0 =	seq.s32 s10, $0x1;
	s10 =	sld [smem:$0x3FBA];
	_ =	sdelay $0x3  }
0x34: {  	[smem:$0x3FBA] =	sst s10  }
0x35: {  	s10 =	sld [smem:$0x3FB9];
	_ =	sdelay $0x3  }
0x36: {  	p1 =	seq.s32 s10, $0x1;
	s10 =	sld [smem:$0x3FBA];
	_ =	sdelay $0x3  }
0x37: {  	[smem:$0x3FBA] =	sst s10  }
0x38: {  	s10 =	sld [smem:$0x3FBB]  }
0x39: {  	_ = 	snop;
	(pc) =	sbr.ind lr, $3  }
0x3a: {  	_ = 	snop  }
0x3b: {  	_ = 	snop  }
0x3c: {  	p2 =	seq.s32 s10, $0x1;
	s10 =	sld [smem:$0x3FBA]  }
0x3d: {  	_ =	shalt  }
0x3e: {  	_ =	shalt  }
0x3f: {  	_ =	shalt  }
0x40: {  	_ =	shalt  }
0x41: {  	_ =	shalt  }
0x42: {  	_ =	shalt  }
0x43: {  	_ =	shalt  }
0x44: {  	_ =	shalt  }
0x45: {  	_ =	shalt  }
0x46: {  	_ =	shalt  }
0x47: {  	_ =	shalt  }
0x48: {  	_ =	shalt  }
0x49: {  	_ =	shalt  }
0x4a: {  	_ =	shalt  }
0x4b: {  	_ =	shalt  }
0x4c: {  	_ =	shalt  }
0x4d: {  	_ =	shalt  }
0x4e: {  	_ =	shalt  }
0x4f: {  	_ =	shalt  }
0x50: {  	_ =	shalt  }
0x51: {  	_ =	shalt  }
0x52: {  	_ =	shalt  }
0x53: {  	_ =	shalt  }
0x54: {  	_ =	shalt  }
0x55: {  	_ =	shalt  }
0x56: {  	_ =	shalt  }
0x57: {  	_ =	shalt  }
0x58: {  	_ =	shalt  }
0x59: {  	_ =	shalt  }
0x5a: {  	_ =	shalt  }
0x5b: {  	_ =	shalt  }
0x5c: {  	_ =	shalt  }
0x5d: {  	_ =	shalt  }
0x5e: {  	_ =	shalt  }
0x5f: {  	_ =	shalt  }
0x60: {  	_ =	shalt  }
0x61: {  	_ =	shalt  }
0x62: {  	_ =	shalt  }
0x63: {  	_ =	shalt  }
0x64: {  	_ =	shalt  }
0x65: {  	_ =	shalt  }
0x66: {  	_ =	shalt  }
0x67: {  	_ =	shalt  }
0x68: {  	_ =	shalt  }
0x69: {  	_ =	shalt  }
0x6a: {  	_ =	shalt  }
0x6b: {  	_ =	shalt  }
0x6c: {  	_ =	shalt  }
0x6d: {  	_ =	shalt  }
0x6e: {  	_ =	shalt  }
0x6f: {  	_ =	shalt  }
0x70: {  	_ =	shalt  }
0x71: {  	_ =	shalt  }
0x72: {  	_ =	shalt  }
0x73: {  	_ =	shalt  }
0x74: {  	_ =	shalt  }
0x75: {  	_ =	shalt  }
0x76: {  	_ =	shalt  }
0x77: {  	_ =	shalt  }
0x78: {  	_ =	shalt  }
0x79: {  	_ =	shalt  }
0x7a: {  	_ =	shalt  }
0x7b: {  	_ =	shalt  }
0x7c: {  	_ =	shalt  }
0x7d: {  	_ =	shalt  }
0x7e: {  	_ =	shalt  }
0x7f: {  	_ =	shalt  }
0x80: {  	_ =	shalt  }
0x81: {  	_ =	shalt  }
0x82: {  	_ =	shalt  }
0x83: {  	_ =	shalt  }
0x84: {  	_ =	shalt  }
0x85: {  	_ =	shalt  }
0x86: {  	_ =	shalt  }
0x87: {  	_ =	shalt  }
.Lfunc_end0:
.L_simem_size_0:
called_computation_lowered:
.L_overlay_start_0:
0x88: {  	s2 =	sld [smem:$0x3FD9]  }
0x89: {  	s3 =	sld [smem:$0x3FFE];
	_ =	sdelay $0x1  }
0x8a: {  	s1 =	srdreg.scid  }
0x8b: {  	s0 =	sand.u32 $0x1, s1  }
0x8c: {  	s14 =	sshll.u32 s0, $0xA;
	s2 =	sadd.s32 s3, s2  }
0x8d: {  	s2 =	sadd.s32 s2, s14  }
0x8e: {  	[smem:$0x3FC6] =	sst s2  }
0x8f: {  	_ = 	snop  }
0x90: {  	s2 =	sld [smem:$0x3FD0];
	_ =	sdelay $0x2  }
0x91: {  	s4 =	simm.s32 $0xA;
	s5 =	simm.s32 $0x10;
	s15 =	sld [smem:$0x3FC9]  }
0x92: {  	[smem:s5], [sflag:s4] =	dma.local [hbm:s2], $0x1  }
0x93: {  	_ =	swait.eq [sflag:s4], $0x1  }
0x94: {  	[sflag:s4] =	ssyncset.done $0x0  }
0x95: {  	[sflag:s4] =	ssyncadd.s32 $0xFFFFFFFF  }
0x96: {  	s16 =	sld [smem:$0x10];
	(tm) =	ssettm $0x1  }
0x97: {  	s17 =	sld [smem:$0x3FFB];
	_ =	sdelay $0x3  }
0x98: {  	_ =	strace s17  }
0x99: {  	s4 =	sld [smem:$0x3FFC];
	_ =	sdelay $0x3  }
0x9a: {  	_ =	strace s4  }
0x9b: {  	s4 =	sld [smem:$0x3FFD];
	_ =	sdelay $0x3  }
0x9c: {  	_ =	strace s4  }
0x9d: {  	_ =	strace $0x8FFFFFFF  }
0x9e: {  	s18 =	sld [smem:$0x3FDB];
	_ =	sdelay $0x1  }
0x9f: {  	s19 =	simm.s32 $_scs_section_size  }
0xa0: {  	s6 =	simm.s32 $_size__tile_overlayer_lowered;
	s7 =	simm.s32 $_tile_overlayer_lowered  }
0xa1: {  	s22 =	simm.s32 $0x1BFF;
	s21 =	sshll.u32 s7, $0x1;
	s4 =	sadd.s32 s19, s18  }
0xa2: {  	s8 =	simm.s32 $0x0;
	s20 =	sshll.u32 s6, $0x1;
	s6 =	sadd.s32 s21, s4  }
0xa3: {  	[timem:s8], [sflag:s22] =	dma.local [hbm:s6], s20  }
0xa4: {  	_ =	swait.ge [sflag:s22], s20  }
0xa5: {  	s5 =	ssub.s32 $0x0, s20;
	[sflag:s22] =	ssyncset.done $0x0  }
0xa6: {  	[sflag:s22] =	ssyncadd.s32 s5;
	_ =	sdelay $0x1  }
0xa7: {  	s23 =	simm.s32 $0x1B8B  }
0xa8: {  	_ =	swait.ge [sflag:s23], $0x1  }
0xa9: {  	[sflag:s23] =	ssyncset.done $0x0  }
0xaa: {  	s25 =	simm.s32 $0x1B8E;
	s24 =	sld [smem:$0x3FFE];
	[sflag:s23] =	ssyncadd.s32 $0xFFFFFFFF  }
0xab: {  	s26 =	simm.s32 $execute0_lowered;
	[smem:$0x3FD2] =	sst s25  }
0xac: {  	s6 =	sshll.u32 s26, $0x1;
	_ =	strace $0x80000046;
	[dreg:$0x1] =	wrdreg $0xFFFFFFFF  }
0xad: {  	s28 =	simm.s32 $_size_execute0_lowered;
	s4 =	sadd.s32 s4, s6;
	[dreg:$0x0] =	wrdreg $0x0  }
0xae: {  	s6 =	sshll.u32 s28, $0x1;
	[dreg:$0x2] =	wrdreg s4  }
0xaf: {  	[dreg:$0x3] =	wrdreg s6  }
0xb0: {  	[dreg:$0x4] =	wrdreg $0xC0  }
0xb1: {  	_ =	task [dreg:s8], $0x5FFFF  }
0xb2: {  	[dreg:$0x1] =	wrdreg $0xFFFFFFFF  }
0xb3: {  	[dreg:$0x0] =	wrdreg $0x60  }
0xb4: {  	[dreg:$0x2] =	wrdreg s15  }
0xb5: {  	[dreg:$0x3] =	wrdreg s24  }
0xb6: {  	[dreg:$0x4] =	wrdreg s16  }
0xb7: {  	[dreg:$0x5] =	wrdreg $0xA9100  }
0xb8: {  	[dreg:$0x6] =	wrdreg $0x9  }
0xb9: {  	_ =	task.clear_ibuf [dreg:s8], $0x7FFFF;
	_ =	strace $0x90000046  }
0xba: {  	s29 =	simm.s32 $0x9;
	_ =	strace $0x80000048  }
0xbb: {  	_ =	swait.ge [sflag:s29], $0x1  }
0xbc: {  	[sflag:s29] =	ssyncadd.s32 $0xFFFFFFFF  }
0xbd: {  	_ =	strace $0x90000048  }
0xbe: {  	_ =	sfence  }
0xbf: {  	s30 =	sld [smem:$0x0];
	_ =	sdelay $0x2  }
0xc0: {  	s31 =	sshll.u32 s1, $0xD;
	s1 =	sshrl.u32 s1, $0x2  }
0xc1: {  	s3 =	sand.u32 $0x4000, s31;
	s1 =	sadd.s32 s1, s30  }
0xc2: {  	s0 =	sor.u32 s3, s0;
	s1 =	sshll.u32 s1, $0x11  }
0xc3: {  	s0 =	sor.u32 s1, s0  }
0xc4: {  	s0 =	sadd.s32 $0x8F2B, s0  }
0xc5: {  	[sflag:s0] =	ssyncadd.remote.s32 $0x1  }
0xc6: {  	_ =	sfence.sel $0xFFFF  }
0xc7: {  	[dreg:$0x0] =	wrdreg $0xFFFFFFFF;
	(pc) =	sbr.abs _section_cstart, $3  }
0xc8: {  	[dreg:$0x1] =	wrdreg $0xFFFFFFFF  }
0xc9: {  	_ =	task.clear_ibuf [dreg:s8], $0x2FFFF;
	_ =	strace $0x9FFFFFFF  }
0xca: {  	(tm) =	ssettm $0x7FFFFFFF  }
0xcb: {  	_ =	shalt  }
tec
execute0_lowered:
.L_overlay_start_1:
0x0: {  	(tag) =	ssettag $0x1  }
0x1: {  	s0 =	rddreg [dreg:$0x0]  }
0x2: {  	s1 =	rddreg [dreg:$0x1]  }
0x3: {  	s4 =	rddreg [dreg:$0x2]  }
0x4: {  	s2 =	rddreg [dreg:$0x3];
	s3 =	simm.s32 $0x0  }
0x5: {  	s5 =	srdreg.scid;
	s15 =	stileid.u32;
	s28 =	simm.s32 $0x8000  }
0x6: {  	s29 =	simm.s32 $0x1;
	s30 =	simm.s32 $0x8080;
	s31 =	simm.s32 $0x8200  }
0x7: {  	[smem:$0x7FF] =	sst s3;
	s6 =	sand.u32 $0x1, s5;
	s12 =	smul.u32 $0x4E000, s15  }
0x8: {  	s21 =	sshll.u32 s15, $0x1;
	s7 =	sadd.s32 $0x800, s1;
	s26 =	smul.u32 $0x13800, s15  }
0x9: {  	p0 =	sne.s32 s15, $0xF;
	s11 =	sor.u32 s6, s21;
	s25 =	smul.u32 $0x138800, s6  }
0xa: {  	_ =	strace $0x80000047;
	s8 =	ssub.s32 $0x2, s6;
	s5 =	smul.u32 $0x4E2, s11  }
0xb: {  	s9 =	sshrl.u32 s8, $0x1;
	s10 =	sshll.u32 s11, $0x7;
	s24 =	sshrl.u32 s12, $0x2  }
0xc: {  	s18 =	sshll.u32 s11, $0xB;
	s19 =	sshll.u32 s11, $0x4;
	s8 =	ssub.s32 s8, s9  }
0xd: {  	s22 =	sor.u32 $0x1000, s10;
	s14 =	sadd.s32 s26, s25;
	s12 =	sshrl.u32 s25, $0x3  }
0xe: {  	s10 =	sadd.s32 s26, s2;
	s25 =	sshll.u32 s15, $0x5;
	s26 =	sshll.u32 s6, $0xB  }
0xf: {  	s6 =	sshll.u32 s6, $0x4;
	s1 =	sadd.s32 s5, s1;
	s23 =	sshll.u32 s22, $0x4  }
0x10: {  	s13 =	sshrl.u32 s22, $0x3;
	s5 =	sadd.s32 s24, s2;
	s14 =	sshrl.u32 s14, $0x3  }
0x11: {  	s21 =	sadd.s32 s4, s12;
	s22 =	smax.u32 s8, $0x1;
	s24 =	sshll.u32 s15, $0xC  }
0x12: {  	s8 =	simm.s32 $0x0;
	s9 =	sadd.s32 s0, s23;
	s16 =	sadd.s32 s7, s13  }
0x13: {  	s17 =	sadd.s32 $0x10000, s5;
	s13 =	sadd.s32 s0, s18;
	[dreg:$0xd] =	wrdreg s22  }
0x14: {  	s20 =	sadd.s32 s4, s14;
	s1 =	sadd.s32 $0x14200, s1;
	[dreg:$0x5] =	wrdreg s9  }
0x15: {  	s23 =	sadd.s32 $0x4000, s5;
	s18 =	sadd.s32 $0xC000, s5;
	[dreg:$0x6] =	wrdreg s16  }
0x16: {  	s0 =	sadd.s32 s24, s0;
	s4 =	sadd.s32 s25, s7;
	[dreg:$0x7] =	wrdreg s17  }
0x17: {  	s22 =	simm.s32 $0x80;
	s24 =	simm.s32 $0x8100;
	[dreg:$0x8] =	wrdreg s13  }
0x18: {  	s25 =	sshrl.u32 s10, $0x3;
	s9 =	sadd.s32 $0x138000, s2;
	[dreg:$0xa] =	wrdreg s20  }
0x19: {  	s13 =	sadd.s32 s7, s19;
	[dreg:$0xb] =	wrdreg s1;
	s1 =	sadd.s32 $0x27000, s21  }
.Ltmp0:
0x1a: {  	[dreg:$0xe] =	wrdreg s23;
	s17 =	sadd.s32 $0x8000, s5;
	(pc) =	sbr.rel .LBB2_1-.Ltmp0, $4  }
0x1b: {  	s0 =	sadd.s32 s26, s0;
	s19 =	sadd.s32 s6, s4;
	s21 =	simm.s32 $0x4000  }
0x1c: {  	s23 =	simm.s32 $0x4E200;
	s26 =	simm.s32 $0x5;
	[dreg:$0x9] =	wrdreg s13  }
0x1d: {  	s6 =	simm.s32 $0x8180;
	s7 =	simm.s32 $0x4;
	[dreg:$0xc] =	wrdreg s1  }
0x1e: {  	v0 =	vimm.f32 $0.0e+00;
	v1 =	vimm.f32 $1.000000000e+00;
	s12 =	sadd.s32 $0x30000, s0;
	s0 =	simm.s32 $0x3;
	s1 =	simm.s32 $0x2  }
.LBB2_12:
0x1f: {  	s4 =	stileid.u32  }
0x20: {  	[bflag:$0x0] =	sbarrier.arrive $0xFFFF;
	s4 =	sshll.u32 s4, $0x6  }
0x21: {  	s10 =	rddreg [dreg:$0xa];
	s4 =	sor.u32 $0x1C05, s4  }
0x22: {  	[hbm:s10], [sflag:s4] =	dma.local [spmem:s25], $0x2700  }
0x23: {  	_ =	swait.ge [sflag:s26], $0x2700  }
0x24: {  	[sflag:s26] =	ssyncset.done $0x0  }
0x25: {  	s16 =	rddreg [dreg:$0xb];
	[sflag:s26] =	ssyncadd.s32 $0xFFFFD900  }
0x26: {  	[hbm4b:s16+s3] =	stream.linear.scatter [tilespmem:s31], [sflag:$0x5], $0x2710, $0x38;
	[tilespmem:$0x1E190] =	vst v63  }
0x27: {  	_ =	swait.ge [sflag:s26], $0x2710  }
0x28: {  	[sflag:s26] =	ssyncset.done $0x0  }
0x29: {  	s10 =	sshrl.u32 @!p0 s9, $0x3;
	s13 =	rddreg [dreg:$0xc];
	[sflag:s26] =	ssyncadd.s32 $0xFFFFD8F0  }
0x2a: {  	[hbm:s13], [sflag:s4] =	dma.local @!p0 [spmem:s10], $0x100  }
0x2b: {  	s4 =	simm.s32 @!p0 $0x5  }
0x2c: {  	_ =	swait.ge @!p0 [sflag:s4], $0x100  }
0x2d: {  	s8 =	sadd.s32 $0x1, s8;
	s20 =	rddreg [dreg:$0xd]  }
0x2e: {  	p1 =	sne.s32 s8, s20  }
.Ltmp1:
0x2f: {  	_ = 	snop;
	(pc) =	sbr.rel @!p1 .LBB2_13-.Ltmp1, $3  }
0x30: {  	_ =	sdelay $0x1  }
0x31: {  	[sflag:s4] =	ssyncset.done @!p0 $0x0  }
0x32: {  	[sflag:s4] =	ssyncadd.s32 @!p0 $0xFFFFFF00  }
.LBB2_1:
0x33: {  	s4 =	rddreg [dreg:$0x5]  }
0x34: {  	[tilespmem:s21], [sflag:$0x2] =	stream.linear.gather [hbm4b:s4+s3], $0x4000, $0x38;
	[tilespmem:$0x1E190] =	vst v63  }
0x35: {  	s20 =	rddreg [dreg:$0x6];
	s10 =	simm.s32 $0x200;
	s4 =	simm.s32 $0x0  }
0x36: {  	[tilespmem:s24], [sflag:$0x2] =	stream.strided.gather [hbm4b:s20+s22], $0x100, s23, s22, $0x38;
	[tilespmem:$0x1E190] =	vst v63  }
.LBB2_2:
0x37: {  	p1 =	sne.s32 s10, $0xFE00;
	[tilespmem:s4+$0x70] =	vst v0  }
0x38: {  	[tilespmem:s4+$0x0] =	vst v0  }
0x39: {  	[tilespmem:s4+$0x10] =	vst v0  }
.Ltmp2:
0x3a: {  	[tilespmem:s4+$0x20] =	vst v0;
	(pc) =	sbr.rel @p1 .LBB2_2-.Ltmp2, $4  }
0x3b: {  	[tilespmem:s4+$0x30] =	vst v0  }
0x3c: {  	[tilespmem:s4+$0x40] =	vst v0  }
0x3d: {  	[tilespmem:s4+$0x50] =	vst v0  }
0x3e: {  	[tilespmem:s4+$0x60] =	vst v0;
	s4 =	sshra.s32 s10, $0x2;
	s10 =	sadd.s32 $0x200, s10  }
0x3f: {  	[tilespmem:s4+$0x70] =	vst v0  }
0x40: {  	[tilespmem:s4+$0x0] =	vst v0  }
0x41: {  	[tilespmem:s4+$0x10] =	vst v0  }
0x42: {  	[tilespmem:s4+$0x20] =	vst v0  }
0x43: {  	[tilespmem:s4+$0x30] =	vst v0  }
0x44: {  	[tilespmem:s4+$0x40] =	vst v0  }
0x45: {  	[tilespmem:s4+$0x50] =	vst v0  }
0x46: {  	[tilespmem:s4+$0x60] =	vst v0;
	s4 =	simm.s32 $0x40;
	s10 =	simm.s32 $0x0  }
.LBB2_4:
0x47: {  	p1 =	sne.s32 s4, $0x9C00;
	[tilespmem:s10+$0x8200] =	vst v0;
	s10 =	smov.u32 s4;
	s4 =	sadd.s32 $0x40, s4  }
.Ltmp3:
0x48: {  	(pc) =	sbr.rel @p1 .LBB2_4-.Ltmp3, $2  }
0x49: {  	_ =	sdelay $0x2  }
0x4a: {  	s10 =	sshra.s32 s10, $0x2  }
0x4b: {  	[tilespmem:s10+$0x8200] =	vst v0  }
0x4c: {  	[spmem:s5] =	stream.linear.scatter [tilespmem:s3], [sflag:$0x5], $0x4000, $0x38;
	[tilespmem:$0x1E190] =	vst v63  }
0x4d: {  	_ =	swait.ge [sflag:s26], $0x4000  }
0x4e: {  	[sflag:s26] =	ssyncset.done $0x0  }
0x4f: {  	s4 =	rddreg [dreg:$0xe];
	[sflag:s26] =	ssyncadd.s32 $0xFFFFC000  }
0x50: {  	[spmem:s4] =	stream.linear.scatter [tilespmem:s3], [sflag:$0x5], $0x4000, $0x38;
	[tilespmem:$0x1E190] =	vst v63  }
0x51: {  	_ =	swait.ge [sflag:s26], $0x4000  }
0x52: {  	[sflag:s26] =	ssyncset.done $0x0  }
0x53: {  	[sflag:s26] =	ssyncadd.s32 $0xFFFFC000  }
0x54: {  	[spmem:s17] =	stream.linear.scatter [tilespmem:s3], [sflag:$0x5], $0x4000, $0x38;
	[tilespmem:$0x1E190] =	vst v63  }
0x55: {  	_ =	swait.ge [sflag:s26], $0x4000  }
0x56: {  	[sflag:s26] =	ssyncset.done $0x0  }
0x57: {  	[sflag:s26] =	ssyncadd.s32 $0xFFFFC000  }
0x58: {  	[spmem:s18] =	stream.linear.scatter [tilespmem:s3], [sflag:$0x5], $0x4000, $0x38;
	[tilespmem:$0x1E190] =	vst v63  }
0x59: {  	_ =	swait.ge [sflag:s26], $0x4000  }
0x5a: {  	[sflag:s26] =	ssyncset.done $0x0  }
0x5b: {  	s15 =	rddreg [dreg:$0x7];
	[sflag:s26] =	ssyncadd.s32 $0xFFFFC000  }
0x5c: {  	[spmem:s15] =	stream.linear.scatter [tilespmem:s3], [sflag:$0x5], $0x3800, $0x38;
	[tilespmem:$0x1E190] =	vst v63  }
0x5d: {  	_ =	swait.ge [sflag:s26], $0x3800  }
0x5e: {  	[sflag:s26] =	ssyncset.done $0x0  }
0x5f: {  	s4 =	simm.s32 @!p0 $0x0;
	[sflag:s26] =	ssyncadd.s32 $0xFFFFC800  }
0x60: {  	[spmem:s9] =	stream.linear.scatter @!p0 [tilespmem:s4], [sflag:$0x5], $0x800, $0x38;
	[tilespmem:$0x1E190] =	vst v63  }
0x61: {  	s4 =	simm.s32 @!p0 $0x5  }
0x62: {  	_ =	swait.ge @!p0 [sflag:s4], $0x800  }
0x63: {  	[sflag:s4] =	ssyncset.done @!p0 $0x0  }
0x64: {  	s10 =	simm.s32 $0x0;
	s16 =	rddreg [dreg:$0x8];
	[sflag:s4] =	ssyncadd.s32 @!p0 $0xFFFFF800  }
0x65: {  	[tilespmem:s10], [sflag:$0x1] =	stream.linear.gather [hbm4b:s16+s10], $0x4000, $0x38;
	[tilespmem:$0x1E190] =	vst v63  }
.Ltmp4:
0x66: {  	_ = 	snop;
	(pc) =	sbr.rel .LBB2_6-.Ltmp4, $4  }
0x67: {  	s20 =	rddreg [dreg:$0x9]  }
0x68: {  	[tilespmem:s28], [sflag:$0x1] =	stream.strided.gather [hbm4b:s20+s22], $0x100, s23, s22, $0x38;
	[tilespmem:$0x1E190] =	vst v63  }
0x69: {  	[bflag:$0x0] =	sbarrier.arrive $0xFFFF  }
0x6a: {  	s4 =	smov.u32 s11;
	s20 =	smov.u32 s12  }
.LBB2_8:
0x6b: {  	s13 =	sadd.s32 $0xFFFF0000, s20;
	s16 =	sadd.s32 s10, s19  }
0x6c: {  	[tilespmem:s3], [sflag:$0x1] =	stream.linear.gather [hbm4b:s13+s3], $0x4000, $0x38;
	[tilespmem:$0x1E190] =	vst v63  }
0x6d: {  	s13 =	sadd.s32 $0x400, s16  }
0x6e: {  	[tilespmem:s28], [sflag:$0x1] =	stream.strided.gather [hbm4b:s13+s22], $0x100, s23, s22, $0x38;
	[tilespmem:$0x1E190] =	vst v63  }
.LBB2_10:
0x6f: {  	_ =	swait.ge [sflag:s1], $0x4000  }
0x70: {  	[sflag:s1] =	ssyncset.done $0x0  }
0x71: {  	[sflag:s1] =	ssyncadd.s32 $0xFFFFC000  }
0x72: {  	_ =	swait.ge [sflag:s1], $0x100  }
0x73: {  	[sflag:s1] =	ssyncset.done $0x0  }
0x74: {  	[sflag:s1] =	ssyncadd.s32 $0xFFFFFF00  }
0x75: {  	[spmem:s2] =	stream.indirect.scatter.add.f32 [tilespmem:s21], [sflag:$0x4], $0x80, s24, s22, $0xb8;
	[tilespmem:$0x1E190] =	vst v63  }
0x76: {  	_ = 	snop  }
0x77: {  	[spmem:s2] =	stream.indirect.scatter.add.f32 [tilespmem:s21], [sflag:$0x4], $0x80, s6, s22, $0xb8;
	[tilespmem:$0x1E190] =	vst v63  }
0x78: {  	v2 =	vld [tilespmem:$0x8100];
	_ =	sdelay $0x7  }
0x79: {  	[tilespmem:v2+s31+$0x0] =	vst.idx.add.f32.msk $0xffff, v1  }
0x7a: {  	v2 =	vld [tilespmem:$0x8110];
	_ =	sdelay $0x7  }
0x7b: {  	[tilespmem:v2+s31+$0x0] =	vst.idx.add.f32.msk $0xffff, v1  }
0x7c: {  	v2 =	vld [tilespmem:$0x8120];
	_ =	sdelay $0x7  }
0x7d: {  	[tilespmem:v2+s31+$0x0] =	vst.idx.add.f32.msk $0xffff, v1  }
0x7e: {  	v2 =	vld [tilespmem:$0x8130];
	_ =	sdelay $0x7  }
0x7f: {  	[tilespmem:v2+s31+$0x0] =	vst.idx.add.f32.msk $0xffff, v1  }
0x80: {  	v2 =	vld [tilespmem:$0x8140];
	_ =	sdelay $0x7  }
0x81: {  	[tilespmem:v2+s31+$0x0] =	vst.idx.add.f32.msk $0xffff, v1  }
0x82: {  	v2 =	vld [tilespmem:$0x8150];
	_ =	sdelay $0x7  }
0x83: {  	[tilespmem:v2+s31+$0x0] =	vst.idx.add.f32.msk $0xffff, v1  }
0x84: {  	v2 =	vld [tilespmem:$0x8160];
	_ =	sdelay $0x7  }
0x85: {  	[tilespmem:v2+s31+$0x0] =	vst.idx.add.f32.msk $0xffff, v1  }
0x86: {  	v2 =	vld [tilespmem:$0x8170];
	_ =	sdelay $0x7  }
0x87: {  	[tilespmem:v2+s31+$0x0] =	vst.idx.add.f32.msk $0xffff, v1  }
0x88: {  	v2 =	vld [tilespmem:$0x8180];
	_ =	sdelay $0x7  }
0x89: {  	[tilespmem:v2+s31+$0x0] =	vst.idx.add.f32.msk $0xffff, v1  }
0x8a: {  	v2 =	vld [tilespmem:$0x8190];
	_ =	sdelay $0x7  }
0x8b: {  	[tilespmem:v2+s31+$0x0] =	vst.idx.add.f32.msk $0xffff, v1  }
0x8c: {  	v2 =	vld [tilespmem:$0x81A0];
	_ =	sdelay $0x7  }
0x8d: {  	[tilespmem:v2+s31+$0x0] =	vst.idx.add.f32.msk $0xffff, v1  }
0x8e: {  	v2 =	vld [tilespmem:$0x81B0];
	_ =	sdelay $0x7  }
0x8f: {  	[tilespmem:v2+s31+$0x0] =	vst.idx.add.f32.msk $0xffff, v1  }
0x90: {  	v2 =	vld [tilespmem:$0x81C0];
	_ =	sdelay $0x7  }
0x91: {  	[tilespmem:v2+s31+$0x0] =	vst.idx.add.f32.msk $0xffff, v1  }
0x92: {  	v2 =	vld [tilespmem:$0x81D0];
	_ =	sdelay $0x7  }
0x93: {  	[tilespmem:v2+s31+$0x0] =	vst.idx.add.f32.msk $0xffff, v1  }
0x94: {  	v2 =	vld [tilespmem:$0x81E0];
	_ =	sdelay $0x7  }
0x95: {  	[tilespmem:v2+s31+$0x0] =	vst.idx.add.f32.msk $0xffff, v1  }
0x96: {  	v2 =	vld [tilespmem:$0x81F0];
	_ =	sdelay $0x7  }
0x97: {  	[tilespmem:v2+s31+$0x0] =	vst.idx.add.f32.msk $0xffff, v1  }
0x98: {  	_ =	swait.ge [sflag:s7], $0x4000  }
0x99: {  	[sflag:s7] =	ssyncset.done $0x0  }
0x9a: {  	[sflag:s7] =	ssyncadd.s32 $0xFFFFC000  }
0x9b: {  	_ =	swait.ge [sflag:s7], $0x4000  }
0x9c: {  	p1 =	sgt.u32 s4, $0x963;
	[sflag:s7] =	ssyncset.done $0x0  }
0x9d: {  	s13 =	simm.s32 @!p1 $0x0;
	s14 =	simm.s32 @!p1 $0x4000;
	[sflag:s7] =	ssyncadd.s32 $0xFFFFC000  }
0x9e: {  	[tilespmem:s14], [sflag:$0x2] =	stream.linear.gather @!p1 [hbm4b:s20+s13], $0x4000, $0x38;
	[tilespmem:$0x1E190] =	vst v63  }
0x9f: {  	s15 =	simm.s32 @!p1 $0x4E200;
	s13 =	sadd.s32 @!p1 s10, s19  }
0xa0: {  	s16 =	simm.s32 @!p1 $0x8100;
	s14 =	simm.s32 @!p1 $0x80;
	s13 =	sadd.s32 @!p1 $0x600, s13  }
0xa1: {  	[tilespmem:s16], [sflag:$0x2] =	stream.strided.gather @!p1 [hbm4b:s13+s14], $0x100, s15, s14, $0x38;
	[tilespmem:$0x1E190] =	vst v63  }
.LBB2_11:
0xa2: {  	s10 =	sadd.s32 $0x400, s10  }
0xa3: {  	p1 =	sne.s32 s10, $0xA000  }
.Ltmp5:
0xa4: {  	_ = 	snop;
	(pc) =	sbr.rel @!p1 .LBB2_12-.Ltmp5, $2  }
0xa5: {  	_ =	sdelay $0x2  }
0xa6: {  	s20 =	sadd.s32 $0x20000, s20;
	s4 =	sadd.s32 $0x40, s4  }
.LBB2_6:
0xa7: {  	p1 =	sgt.u32 s4, $0x9C3  }
.Ltmp6:
0xa8: {  	_ = 	snop;
	(pc) =	sbr.rel @p1 .LBB2_11-.Ltmp6, $1  }
0xa9: {  	_ =	sdelay $0x3  }
0xaa: {  	_ =	swait.ge [sflag:s29], $0x4000  }
0xab: {  	[sflag:s29] =	ssyncset.done $0x0  }
0xac: {  	[sflag:s29] =	ssyncadd.s32 $0xFFFFC000  }
0xad: {  	_ =	swait.ge [sflag:s29], $0x100  }
0xae: {  	[sflag:s29] =	ssyncset.done $0x0  }
0xaf: {  	[sflag:s29] =	ssyncadd.s32 $0xFFFFFF00  }
0xb0: {  	[spmem:s2] =	stream.indirect.scatter.add.f32 [tilespmem:s3], [sflag:$0x3], $0x80, s28, s22, $0xb8;
	[tilespmem:$0x1E190] =	vst v63  }
0xb1: {  	_ = 	snop  }
0xb2: {  	[spmem:s2] =	stream.indirect.scatter.add.f32 [tilespmem:s3], [sflag:$0x3], $0x80, s30, s22, $0xb8;
	[tilespmem:$0x1E190] =	vst v63  }
0xb3: {  	v2 =	vld [tilespmem:$0x8000];
	_ =	sdelay $0x7  }
0xb4: {  	[tilespmem:v2+s31+$0x0] =	vst.idx.add.f32.msk $0xffff, v1  }
0xb5: {  	v2 =	vld [tilespmem:$0x8010];
	_ =	sdelay $0x7  }
0xb6: {  	[tilespmem:v2+s31+$0x0] =	vst.idx.add.f32.msk $0xffff, v1  }
0xb7: {  	v2 =	vld [tilespmem:$0x8020];
	_ =	sdelay $0x7  }
0xb8: {  	[tilespmem:v2+s31+$0x0] =	vst.idx.add.f32.msk $0xffff, v1  }
0xb9: {  	v2 =	vld [tilespmem:$0x8030];
	_ =	sdelay $0x7  }
0xba: {  	[tilespmem:v2+s31+$0x0] =	vst.idx.add.f32.msk $0xffff, v1  }
0xbb: {  	v2 =	vld [tilespmem:$0x8040];
	_ =	sdelay $0x7  }
0xbc: {  	[tilespmem:v2+s31+$0x0] =	vst.idx.add.f32.msk $0xffff, v1  }
0xbd: {  	v2 =	vld [tilespmem:$0x8050];
	_ =	sdelay $0x7  }
0xbe: {  	[tilespmem:v2+s31+$0x0] =	vst.idx.add.f32.msk $0xffff, v1  }
0xbf: {  	v2 =	vld [tilespmem:$0x8060];
	_ =	sdelay $0x7  }
0xc0: {  	[tilespmem:v2+s31+$0x0] =	vst.idx.add.f32.msk $0xffff, v1  }
0xc1: {  	v2 =	vld [tilespmem:$0x8070];
	_ =	sdelay $0x7  }
0xc2: {  	[tilespmem:v2+s31+$0x0] =	vst.idx.add.f32.msk $0xffff, v1  }
0xc3: {  	v2 =	vld [tilespmem:$0x8080];
	_ =	sdelay $0x7  }
0xc4: {  	[tilespmem:v2+s31+$0x0] =	vst.idx.add.f32.msk $0xffff, v1  }
0xc5: {  	v2 =	vld [tilespmem:$0x8090];
	_ =	sdelay $0x7  }
0xc6: {  	[tilespmem:v2+s31+$0x0] =	vst.idx.add.f32.msk $0xffff, v1  }
0xc7: {  	v2 =	vld [tilespmem:$0x80A0];
	_ =	sdelay $0x7  }
0xc8: {  	[tilespmem:v2+s31+$0x0] =	vst.idx.add.f32.msk $0xffff, v1  }
0xc9: {  	v2 =	vld [tilespmem:$0x80B0];
	_ =	sdelay $0x7  }
0xca: {  	[tilespmem:v2+s31+$0x0] =	vst.idx.add.f32.msk $0xffff, v1  }
0xcb: {  	v2 =	vld [tilespmem:$0x80C0];
	_ =	sdelay $0x7  }
0xcc: {  	[tilespmem:v2+s31+$0x0] =	vst.idx.add.f32.msk $0xffff, v1  }
0xcd: {  	v2 =	vld [tilespmem:$0x80D0];
	_ =	sdelay $0x7  }
0xce: {  	[tilespmem:v2+s31+$0x0] =	vst.idx.add.f32.msk $0xffff, v1  }
0xcf: {  	v2 =	vld [tilespmem:$0x80E0];
	_ =	sdelay $0x7  }
0xd0: {  	[tilespmem:v2+s31+$0x0] =	vst.idx.add.f32.msk $0xffff, v1  }
0xd1: {  	v2 =	vld [tilespmem:$0x80F0];
	_ =	sdelay $0x7  }
0xd2: {  	[tilespmem:v2+s31+$0x0] =	vst.idx.add.f32.msk $0xffff, v1  }
0xd3: {  	p1 =	sgt.u32 s4, $0x983;
	_ =	swait.ge [sflag:s0], $0x4000  }
.Ltmp7:
0xd4: {  	[sflag:s0] =	ssyncset.done $0x0;
	(pc) =	sbr.rel @!p1 .LBB2_8-.Ltmp7, $4  }
0xd5: {  	[sflag:s0] =	ssyncadd.s32 $0xFFFFC000  }
0xd6: {  	_ =	swait.ge [sflag:s0], $0x4000  }
0xd7: {  	[sflag:s0] =	ssyncset.done $0x0  }
0xd8: {  	[sflag:s0] =	ssyncadd.s32 $0xFFFFC000  }
0xd9: {  	p1 =	sgt.u32 s4, $0x9A3  }
.Ltmp8:
0xda: {  	_ = 	snop;
	(pc) =	sbr.rel @p1 .LBB2_11-.Ltmp8, $4  }
.Ltmp9:
0xdb: {  	_ = 	snop;
	(pc) =	sbr.rel @!p1 .LBB2_10-.Ltmp9, $4  }
0xdc: {  	_ = 	snop  }
0xdd: {  	_ = 	snop  }
0xde: {  	_ = 	snop  }
0xdf: {  	_ = 	snop  }
.LBB2_13:
0xe0: {  	_ =	sfence.sel $0x180000  }
0xe1: {  	[bflag:$0x0] =	sbarrier.arrive $0xFFFF  }
0xe2: {  	_ =	strace $0x90000047  }
0xe3: {  	s0 =	stileid.u32;
	[bflag:$0x2] =	sbarrier.arrive $0xFFFF  }
0xe4: {  	p0 =	sne.s32 s0, $0x0;
	s0 =	rddreg [dreg:$0x4]  }
0xe5: {  	s0 =	sadd.s32 @!p0 $0x100000, s0  }
0xe6: {  	[sflag:s0] =	ssyncadd.tile.s32 @!p0 $0x1;
	_ =	shalt  }
.Lfunc_end2:
_tile_overlayer_lowered:
.L_overlay_start_2:
0xe7: {  	(tag) =	ssettag $0x2  }
0xe8: {  	s0 =	rddreg [dreg:$0x0];
	s2 =	stileid.u32  }
0xe9: {  	s1 =	rddreg [dreg:$0x1];
	p0 =	sne.s32 s2, $0x0  }
0xea: {  	s3 =	rddreg [dreg:$0x2];
	[bflag:$0x3] =	sbarrier.arrive $0xFFFF;
	s2 =	simm.s32 @!p0 $0x1C05  }
0xeb: {  	[timem:s3], [sflag:s2] =	dma.local @!p0 [hbm:s0], s1  }
0xec: {  	s0 =	simm.s32 @!p0 $0x5  }
0xed: {  	_ =	swait.ge @!p0 [sflag:s0], s1  }
0xee: {  	s1 =	ssub.s32 @!p0 $0x0, s1;
	[sflag:s0] =	ssyncset.done @!p0 $0x0  }
0xef: {  	[sflag:s0] =	ssyncadd.s32 @!p0 s1  }
0xf0: {  	[bflag:$0x3] =	sbarrier.arrive $0xFFFF  }
0xf1: {  	_ =	shalt  }

</sc_bundles>
